<compile_context>
chip_gen: v7x
topology: tpu7x:2x2x1
jax: 0.10.2.dev20260603
libtpu: 0.0.44.dev20260713+nightly
codegen_flags: <defaults>
</compile_context>

<pallas_src>
import functools

import jax
import jax.numpy as jnp
from jax import lax
from jax.experimental import pallas as pl
from jax.experimental.pallas import tpu as pltpu
from jax.experimental.pallas import tpu_sc as plsc

_VOTE_THRESH = 0.65
_MAX_DET = 100
_NSUB = 16
_NCORE = 2
_NCLASS = 80
_LANES = 16


def _sc_body(x1h, y1h, x2h, y2h, sch, labh, part_out, head_out,
             vx1, vy1, vx2, vy2, vsc, vlab, varea,
             pub_vm, pub2, partf, headf, pub_sh, *, shard, nvec):
    c = lax.axis_index("c")
    s = lax.axis_index("s")
    base = s * shard
    lanes = lax.iota(jnp.int32, _LANES)
    zf = jnp.zeros((_LANES,), jnp.float32)

    pltpu.sync_copy(x1h.at[pl.ds(base, shard)], vx1)
    pltpu.sync_copy(y1h.at[pl.ds(base, shard)], vy1)
    pltpu.sync_copy(x2h.at[pl.ds(base, shard)], vx2)
    pltpu.sync_copy(y2h.at[pl.ds(base, shard)], vy2)
    pltpu.sync_copy(sch.at[pl.ds(base, shard)], vsc)
    pltpu.sync_copy(labh.at[pl.ds(base, shard)], vlab)

    def maxstep(j, mv):
        return jnp.maximum(mv, jnp.maximum(vx2[pl.ds(j * _LANES, _LANES)],
                                           vy2[pl.ds(j * _LANES, _LANES)]))
    mvec = lax.fori_loop(0, nvec, maxstep, zf)
    mloc = jnp.max(mvec)
    pub_vm[pl.ds(0, _LANES)] = jnp.where(lanes == 0, mloc, 0.0)
    pltpu.sync_copy(pub_vm, pub_sh.at[0, s])
    plsc.subcore_barrier()
    pltpu.sync_copy(pub_sh.at[0], pub2)
    zcol = jnp.zeros((_LANES,), jnp.int32)
    mcoord = jnp.max(plsc.load_gather(pub2, [lanes, zcol])) + 1.0

    lo = (c * (_NCLASS // _NCORE)).astype(jnp.float32)
    hi = lo + float(_NCLASS // _NCORE)

    def offstep(j, _):
        sl = pl.ds(j * _LANES, _LANES)
        lb = vlab[sl]
        off = lb * mcoord
        a = vx1[sl] + off
        b = vy1[sl] + off
        d = vx2[sl] + off
        e = vy2[sl] + off
        vx1[sl] = a
        vy1[sl] = b
        vx2[sl] = d
        vy2[sl] = e
        varea[sl] = (d - a) * (e - b)
        inr = (lb >= lo) & (lb < hi)
        vsc[sl] = jnp.where(inr, vsc[sl], -1.0)
        return 0
    lax.fori_loop(0, nvec, offstep, 0)

    cv0 = jnp.full((_LANES,), -1.0, jnp.float32)

    def top2step(j, carry):
        cv, ci, dv, di = carry
        sl = pl.ds(j * _LANES, _LANES)
        v = vsc[sl]
        idx = j * _LANES + lanes
        g1 = v > cv
        g2 = v > dv
        dv = jnp.where(g1, cv, jnp.where(g2, v, dv))
        di = jnp.where(g1, ci, jnp.where(g2, idx, di))
        cv = jnp.where(g1, v, cv)
        ci = jnp.where(g1, idx, ci)
        return (cv, ci, dv, di)
    cand = lax.fori_loop(0, nvec, top2step, (cv0, zcol, cv0, zcol))

    big = jnp.int32(10 ** 9)
    bigf = jnp.float32(10 ** 9)

    def gath(ref, iv):
        return plsc.load_gather(ref, [iv])

    def cluster(carry):
        k, r, cv, ci, dv, di = carry
        mlc = jnp.max(cv)
        lidx = jnp.min(jnp.where(cv == mlc, ci, big))
        l1sel = (cv == mlc) & (ci == lidx)
        v1x = jnp.where(l1sel, dv, cv)
        i1x = jnp.where(l1sel, di, ci)
        mlc2 = jnp.max(v1x)
        lidx2 = jnp.min(jnp.where(v1x == mlc2, i1x, big))
        iv1 = jnp.broadcast_to(jnp.minimum(lidx, jnp.int32(shard - 1)), (_LANES,))
        iv2 = jnp.broadcast_to(jnp.minimum(lidx2, jnp.int32(shard - 1)), (_LANES,))
        row = jnp.where(lanes == 0, mlc, 0.0)
        row = jnp.where(lanes == 1, (base + lidx).astype(jnp.float32), row)
        row = jnp.where(lanes == 2, gath(vx1, iv1), row)
        row = jnp.where(lanes == 3, gath(vy1, iv1), row)
        row = jnp.where(lanes == 4, gath(vx2, iv1), row)
        row = jnp.where(lanes == 5, gath(vy2, iv1), row)
        row = jnp.where(lanes == 6, gath(vlab, iv1), row)
        row = jnp.where(lanes == 7, mlc2, row)
        row = jnp.where(lanes == 8, (base + lidx2).astype(jnp.float32), row)
        row = jnp.where(lanes == 9, gath(vx1, iv2), row)
        row = jnp.where(lanes == 10, gath(vy1, iv2), row)
        row = jnp.where(lanes == 11, gath(vx2, iv2), row)
        row = jnp.where(lanes == 12, gath(vy2, iv2), row)
        row = jnp.where(lanes == 13, gath(vlab, iv2), row)
        pub_vm[pl.ds(0, _LANES)] = row
        par = lax.rem(r + 1, 2)
        pltpu.sync_copy(pub_vm, pub_sh.at[par, s])
        plsc.subcore_barrier()
        pltpu.sync_copy(pub_sh.at[par], pub2)
        def col(q):
            return plsc.load_gather(
                pub2, [lanes, jnp.full((_LANES,), q, jnp.int32)])
        scs = col(0)
        idxs = col(1)
        fx1 = col(2)
        fy1 = col(3)
        fx2 = col(4)
        fy2 = col(5)
        flb = col(6)
        m = jnp.max(scs)
        any_left = m >= 0.0
        gidx = jnp.min(jnp.where(scs == m, idxs, bigf))
        wsel = (scs == m) & (idxs == gidx)
        hx1 = jnp.sum(jnp.where(wsel, fx1, 0.0))
        hy1 = jnp.sum(jnp.where(wsel, fy1, 0.0))
        hx2 = jnp.sum(jnp.where(wsel, fx2, 0.0))
        hy2 = jnp.sum(jnp.where(wsel, fy2, 0.0))
        hlb = jnp.sum(jnp.where(wsel, flb, 0.0))
        harea = (hx2 - hx1) * (hy2 - hy1)
        scs2w = col(7)
        idxs2w = col(8)
        gx1 = col(9)
        gy1 = col(10)
        gx2 = col(11)
        gy2 = col(12)
        glb = col(13)

        def iou_vs_h1(a, b, d, e):
            w = jnp.maximum(jnp.minimum(hx2, d) - jnp.maximum(hx1, a), 0.0)
            h = jnp.maximum(jnp.minimum(hy2, e) - jnp.maximum(hy1, b), 0.0)
            inter = w * h
            return inter / (harea + (d - a) * (e - b) - inter)

        iou_f = iou_vs_h1(fx1, fy1, fx2, fy2)
        iou_g = iou_vs_h1(gx1, gy1, gx2, gy2)
        ok_f = (iou_f < _VOTE_THRESH) | (idxs == gidx) | (scs < 0.0)
        ok_g = (iou_g < _VOTE_THRESH) | (scs2w < 0.0)
        repl = idxs == gidx
        e_sc = jnp.where(repl, scs2w, scs)
        e_ix = jnp.where(repl, idxs2w, idxs)
        e_x1 = jnp.where(repl, gx1, fx1)
        e_y1 = jnp.where(repl, gy1, fy1)
        e_x2 = jnp.where(repl, gx2, fx2)
        e_y2 = jnp.where(repl, gy2, fy2)
        e_lb = jnp.where(repl, glb, flb)
        m2 = jnp.max(e_sc)
        gidx2 = jnp.min(jnp.where(e_sc == m2, e_ix, bigf))
        wsel2 = (e_sc == m2) & (e_ix == gidx2)
        bx1 = jnp.sum(jnp.where(wsel2, e_x1, 0.0))
        by1 = jnp.sum(jnp.where(wsel2, e_y1, 0.0))
        bx2 = jnp.sum(jnp.where(wsel2, e_x2, 0.0))
        by2 = jnp.sum(jnp.where(wsel2, e_y2, 0.0))
        blb = jnp.sum(jnp.where(wsel2, e_lb, 0.0))
        barea = (bx2 - bx1) * (by2 - by1)
        e2 = any_left & (m2 >= 0.0) & jnp.all(ok_f) & jnp.all(ok_g)

        def sweep(j, sc_carry):
            p1, p2, p3, p4, p5, q1, q2, q3, q4, q5, scv, sci, sdv, sdi = sc_carry
            sl = pl.ds(j * _LANES, _LANES)
            a = vx1[sl]
            b = vy1[sl]
            d = vx2[sl]
            e = vy2[sl]
            sj = vsc[sl]
            va = varea[sl]
            w = jnp.maximum(jnp.minimum(hx2, d) - jnp.maximum(hx1, a), 0.0)
            h = jnp.maximum(jnp.minimum(hy2, e) - jnp.maximum(hy1, b), 0.0)
            inter = w * h
            iou = inter / (harea + va - inter)
            alive = sj >= 0.0
            merge = (iou >= _VOTE_THRESH) & alive & any_left
            w2 = jnp.maximum(jnp.minimum(bx2, d) - jnp.maximum(bx1, a), 0.0)
            h2 = jnp.maximum(jnp.minimum(by2, e) - jnp.maximum(by1, b), 0.0)
            inter2 = w2 * h2
            iou2 = inter2 / (barea + va - inter2)
            merge2 = (iou2 >= _VOTE_THRESH) & alive & jnp.logical_not(merge) & e2
            mw = jnp.where(merge, sj, 0.0)
            nw = jnp.where(merge2, sj, 0.0)
            p1 = p1 + mw * a
            p2 = p2 + mw * b
            p3 = p3 + mw * d
            p4 = p4 + mw * e
            p5 = p5 + mw
            q1 = q1 + nw * a
            q2 = q2 + nw * b
            q3 = q3 + nw * d
            q4 = q4 + nw * e
            q5 = q5 + nw
            sj = jnp.where(merge | merge2, -1.0, sj)
            vsc[sl] = sj
            idx = j * _LANES + lanes
            g1 = sj > scv
            g2 = sj > sdv
            sdv = jnp.where(g1, scv, jnp.where(g2, sj, sdv))
            sdi = jnp.where(g1, sci, jnp.where(g2, idx, sdi))
            scv = jnp.where(g1, sj, scv)
            sci = jnp.where(g1, idx, sci)
            return (p1, p2, p3, p4, p5, q1, q2, q3, q4, q5,
                    scv, sci, sdv, sdi)

        init = (zf, zf, zf, zf, zf, zf, zf, zf, zf, zf, cv0, zcol, cv0, zcol)
        res = lax.fori_loop(0, nvec, sweep, init)
        p1, p2, p3, p4, p5, q1, q2, q3, q4, q5, ncv, nci, ndv, ndi = res

        prow = jnp.where(lanes == 0, jnp.sum(p1), 0.0)
        prow = jnp.where(lanes == 1, jnp.sum(p2), prow)
        prow = jnp.where(lanes == 2, jnp.sum(p3), prow)
        prow = jnp.where(lanes == 3, jnp.sum(p4), prow)
        prow = jnp.where(lanes == 4, jnp.sum(p5), prow)
        plsc.store_scatter(partf, [lanes * _MAX_DET + k], prow)

        @pl.when(s == 0)
        def _():
            hrow = jnp.where(lanes == 0, m, 0.0)
            hrow = jnp.where(lanes == 1, gidx, hrow)
            hrow = jnp.where(lanes == 2, hlb, hrow)
            hrow = jnp.where(lanes == 3, jnp.where(any_left, 1.0, 0.0), hrow)
            hrow = jnp.where(lanes == 4, mcoord, hrow)
            plsc.store_scatter(headf, [lanes * _MAX_DET + k], hrow)

        @pl.when(e2 & (k + 1 < _MAX_DET))
        def _():
            qrow = jnp.where(lanes == 0, jnp.sum(q1), 0.0)
            qrow = jnp.where(lanes == 1, jnp.sum(q2), qrow)
            qrow = jnp.where(lanes == 2, jnp.sum(q3), qrow)
            qrow = jnp.where(lanes == 3, jnp.sum(q4), qrow)
            qrow = jnp.where(lanes == 4, jnp.sum(q5), qrow)
            plsc.store_scatter(partf, [lanes * _MAX_DET + (k + 1)], qrow)

        @pl.when((s == 0) & e2 & (k + 1 < _MAX_DET))
        def _():
            hrow = jnp.where(lanes == 0, m2, 0.0)
            hrow = jnp.where(lanes == 1, gidx2, hrow)
            hrow = jnp.where(lanes == 2, blb, hrow)
            hrow = jnp.where(lanes == 3, 1.0, hrow)
            hrow = jnp.where(lanes == 4, mcoord, hrow)
            plsc.store_scatter(headf, [lanes * _MAX_DET + (k + 1)], hrow)

        knext = k + jnp.where(e2, jnp.int32(2), jnp.int32(1))
        return (knext, r + 1, ncv, nci, ndv, ndi)

    lax.while_loop(lambda cy: cy[0] < _MAX_DET, cluster,
                   (jnp.int32(0), jnp.int32(0)) + cand)

    pltpu.sync_copy(partf, part_out.at[c * _NSUB + s])

    @pl.when(s == 0)
    def _():
        pltpu.sync_copy(headf, head_out.at[c])


def _sc_greedy(x1, y1, x2, y2, sc, lab, *, shard, nvec):
    mesh = plsc.VectorSubcoreMesh(core_axis_name="c", subcore_axis_name="s")
    f = pl.kernel(
        functools.partial(_sc_body, shard=shard, nvec=nvec),
        out_type=(
            jax.ShapeDtypeStruct((_NCORE * _NSUB, _MAX_DET * _LANES), jnp.float32),
            jax.ShapeDtypeStruct((_NCORE, _MAX_DET * _LANES), jnp.float32),
        ),
        mesh=mesh,
        compiler_params=pltpu.CompilerParams(needs_layout_passes=False),
        scratch_types=[
            pltpu.VMEM((shard,), jnp.float32),
            pltpu.VMEM((shard,), jnp.float32),
            pltpu.VMEM((shard,), jnp.float32),
            pltpu.VMEM((shard,), jnp.float32),
            pltpu.VMEM((shard,), jnp.float32),
            pltpu.VMEM((shard,), jnp.float32),
            pltpu.VMEM((shard,), jnp.float32),
            pltpu.VMEM((128,), jnp.float32),
            pltpu.VMEM((_LANES, 128), jnp.float32),
            pltpu.VMEM((_MAX_DET * _LANES,), jnp.float32),
            pltpu.VMEM((_MAX_DET * _LANES,), jnp.float32),
            pltpu.VMEM_SHARED((2, _LANES, 128), jnp.float32),
        ],
    )
    return f(x1, y1, x2, y2, sc, lab)


def _merge_body(part_ref, head_ref, out_ref):
    P = part_ref[...]
    S0 = jnp.sum(P[0:_NSUB], axis=0, keepdims=True)
    S1 = jnp.sum(P[_NSUB:2 * _NSUB], axis=0, keepdims=True)
    S = jnp.concatenate([S0, S1], axis=0)
    H = head_ref[...]
    sco = H[:, 0:_MAX_DET]
    idx = H[:, _MAX_DET:2 * _MAX_DET]
    labc = H[:, 2 * _MAX_DET:3 * _MAX_DET]
    vld = H[:, 3 * _MAX_DET:4 * _MAX_DET]
    mcoord = jnp.max(H[:, 4 * _MAX_DET:5 * _MAX_DET])
    rows = lax.broadcasted_iota(jnp.int32, (_NCORE, _MAX_DET), 0)
    cols = lax.broadcasted_iota(jnp.int32, (_NCORE, _MAX_DET), 1)
    lane = lax.broadcasted_iota(jnp.int32, (1, 128), 1)
    zrow = jnp.zeros((1, 128), jnp.float32)
    bigf = jnp.float32(10 ** 9)
    big = jnp.int32(10 ** 9)

    def step(i, carry):
        alive, ax1, ay1, ax2, ay2, asc, alab, aval = carry
        ms = jnp.where(alive > 0.0, sco, -1.0)
        m = jnp.max(ms)
        any_left = m >= 0.0
        gidx = jnp.min(jnp.where((ms == m) & (alive > 0.0), idx, bigf))
        rsel = (ms == m) & (idx == gidx) & (alive > 0.0)
        cstar = jnp.min(jnp.where(rsel, rows, big))
        kstar = jnp.min(jnp.where(rsel, cols, big))
        hlab = jnp.sum(jnp.where(rsel, labc, 0.0))
        sel = lambda q: jnp.sum(jnp.where(
            (rows == cstar) & (cols == kstar),
            S[:, q * _MAX_DET:(q + 1) * _MAX_DET], 0.0))
        sw = sel(4)
        denom = jnp.where(any_left, sw, 1.0)
        off = hlab * mcoord
        km = lane == i
        ax1 = jnp.where(km, jnp.where(any_left, sel(0) / denom - off, 0.0), ax1)
        ay1 = jnp.where(km, jnp.where(any_left, sel(1) / denom - off, 0.0), ay1)
        ax2 = jnp.where(km, jnp.where(any_left, sel(2) / denom - off, 0.0), ax2)
        ay2 = jnp.where(km, jnp.where(any_left, sel(3) / denom - off, 0.0), ay2)
        asc = jnp.where(km, jnp.where(any_left, m, 0.0), asc)
        alab = jnp.where(km, jnp.where(any_left, hlab, -1.0), alab)
        aval = jnp.where(km & any_left, 1.0, aval)
        alive = jnp.where(rsel, 0.0, alive)
        return (alive, ax1, ay1, ax2, ay2, asc, alab, aval)

    init = (vld, zrow, zrow, zrow, zrow, zrow, zrow, zrow)
    carry = lax.fori_loop(0, _MAX_DET, step, init)
    _, ax1, ay1, ax2, ay2, asc, alab, _ = carry
    out_ref[...] = jnp.concatenate(
        [ax1, ay1, ax2, ay2, asc, alab, zrow, zrow], axis=0)


def kernel(boxes, scores, labels):
    n = boxes.shape[0]
    shard = -(-n // (_NSUB * _LANES)) * _LANES
    nvec = shard // _LANES
    p = _NSUB * shard - n
    labf = labels.astype(jnp.float32)

    def pad(a, v):
        return jnp.pad(a, (0, p), constant_values=v)

    part, head = _sc_greedy(
        pad(boxes[:, 0], 0.0), pad(boxes[:, 1], 0.0),
        pad(boxes[:, 2], 0.0), pad(boxes[:, 3], 0.0),
        pad(scores, -1.0), pad(labf, 0.0),
        shard=shard, nvec=nvec)

    out = pl.pallas_call(
        _merge_body,
        out_shape=jax.ShapeDtypeStruct((8, 128), jnp.float32),
    )(part, head)
    out_boxes = out[0:4, :_MAX_DET].T
    out_scores = out[4, :_MAX_DET]
    out_labels = out[5, :_MAX_DET]
    return out_boxes, out_scores, out_labels

# --- scband reference (transcript-rebuilt; emitter-appended) ---
"""Pipeline reference for scband-ttawarper-11982958756190 (READ-ONLY COPY).

The authoritative reference and input builder live on the scoring server;
editing this copy changes nothing except your own understanding.
"""

import jax, jax.numpy as jnp
import numpy as np

VOTE_THRESH = 0.65
MAX_DETECTION = 100
N_BOXES = 20000

def setup_inputs(seed: int = 0):
    key = jax.random.key(seed)
    k1, k2, k3, k4 = jax.random.split(key, 4)
    xy = jax.random.uniform(k1, (N_BOXES, 2), dtype=jnp.float32) * 1000.0
    wh = jax.random.uniform(k2, (N_BOXES, 2), dtype=jnp.float32) * 100.0 + 1.0
    boxes = jnp.concatenate([xy, xy + wh], axis=1)
    scores = jax.random.uniform(k3, (N_BOXES,), dtype=jnp.float32)
    labels = jax.random.randint(k4, (N_BOXES,), 0, 80).astype(jnp.int32)
    return {"boxes": boxes, "scores": scores, "labels": labels}

def _vote_nms(boxes, scores, labels, vote_thresh=VOTE_THRESH, max_detection=MAX_DETECTION):
    # Faithful port of merge_result_from_multi_scales with nms_type='vote':
    # 1) class-offset boxes (batched_vote_nms), 2) greedy IoU clustering in
    # descending-score order (the while-loop in bbox_vote), 3) score-weighted
    # box averaging per cluster with max-score (get_dets_sum; note that for
    # singleton clusters get_dets_sum reproduces the raw det row exactly, so a
    # uniform segment-weighted average matches the torch branch for both cases),
    # 4) sort merged dets by score desc, truncate to max_detection, remove offsets.
    N = boxes.shape[0]
    labels_f = labels.astype(jnp.float32)
    max_coord = boxes.max() + 1.0
    obox = boxes + labels_f[:, None] * max_coord
    order = jnp.argsort(-scores)
    obox_s = obox[order]
    scores_s = scores[order]
    labels_s = labels_f[order]
    # --- non-differentiable greedy cluster assignment (indices only) ---
    b = jax.lax.stop_gradient(obox_s)
    x1, y1, x2, y2 = b[:, 0], b[:, 1], b[:, 2], b[:, 3]
    area = (x2 - x1) * (y2 - y1)
    def step(carry, _):
        assigned, cid, k = carry
        head = jnp.argmin(assigned)  # first unassigned (highest remaining score)
        any_left = jnp.logical_not(jnp.all(assigned))
        xx1 = jnp.maximum(x1[head], x1)
        yy1 = jnp.maximum(y1[head], y1)
        xx2 = jnp.minimum(x2[head], x2)
        yy2 = jnp.minimum(y2[head], y2)
        w = jnp.maximum(xx2 - xx1, 0.0)
        h = jnp.maximum(yy2 - yy1, 0.0)
        inter = w * h
        iou = inter / (area[head] + area - inter)
        merge = (iou >= vote_thresh) & jnp.logical_not(assigned) & any_left
        cid = jnp.where(merge, k, cid)
        assigned = assigned | merge
        k = k + jnp.where(any_left, jnp.int32(1), jnp.int32(0))
        return (assigned, cid, k), None
    init = (jnp.zeros((N,), dtype=bool), jnp.zeros((N,), dtype=jnp.int32), jnp.int32(0))
    (assigned, cid, ncl), _ = jax.lax.scan(step, init, None, length=N)
    cid = jax.lax.stop_gradient(cid)
    ncl = jax.lax.stop_gradient(ncl)
    valid = jnp.arange(N) < ncl
    # --- differentiable vote aggregation (get_dets_sum per cluster) ---
    wbox = obox_s * scores_s[:, None]
    seg_box = jax.ops.segment_sum(wbox, cid, num_segments=N)
    seg_sc = jax.ops.segment_sum(scores_s, cid, num_segments=N)
    seg_max = jax.ops.segment_max(scores_s, cid, num_segments=N)
    seg_lab = jax.ops.segment_max(labels_s, cid, num_segments=N)
    seg_lab = jnp.where(valid, seg_lab, 0.0)
    denom = jnp.where(valid, seg_sc, 1.0)
    vote_boxes = seg_box / denom[:, None]
    vote_scores = jnp.where(valid, seg_max, -1.0)
    order2 = jnp.argsort(-vote_scores)
    top = order2[:max_detection]
    v = valid[top]
    out_boxes = vote_boxes[top] - seg_lab[top][:, None] * max_coord
    out_boxes = jnp.where(v[:, None], out_boxes, 0.0)
    out_scores = jnp.where(v, vote_scores[top], 0.0)
    out_labels = jnp.where(v, seg_lab[top], -1.0)
    return out_boxes, out_scores, out_labels

def reference(boxes, scores, labels):
    return _vote_nms(boxes, scores, labels)

if __name__ == "__main__":
    import jax
    _d = setup_inputs()
    print(jax.jit(kernel)(*tuple(_d.values())))

</pallas_src>

<mosaic_0001>
#map = affine_map<(d0, d1) -> (0)>
#map1 = affine_map<(d0, d1) -> (0, 0)>
module attributes {stable_mosaic.version = 14 : i64} {
  func.func @_sc_body(%arg0: i32, %arg1: i32, %arg2: memref<20224xf32, #tpu.memory_space<hbm>>, %arg3: memref<20224xf32, #tpu.memory_space<hbm>>, %arg4: memref<20224xf32, #tpu.memory_space<hbm>>, %arg5: memref<20224xf32, #tpu.memory_space<hbm>>, %arg6: memref<20224xf32, #tpu.memory_space<hbm>>, %arg7: memref<20224xf32, #tpu.memory_space<hbm>>, %arg8: memref<32x1600xf32, #tpu.memory_space<hbm>>, %arg9: memref<2x1600xf32, #tpu.memory_space<hbm>>, %arg10: memref<1264xf32, #tpu.memory_space<vmem>>, %arg11: memref<1264xf32, #tpu.memory_space<vmem>>, %arg12: memref<1264xf32, #tpu.memory_space<vmem>>, %arg13: memref<1264xf32, #tpu.memory_space<vmem>>, %arg14: memref<1264xf32, #tpu.memory_space<vmem>>, %arg15: memref<1264xf32, #tpu.memory_space<vmem>>, %arg16: memref<1264xf32, #tpu.memory_space<vmem>>, %arg17: memref<128xf32, #tpu.memory_space<vmem>>, %arg18: memref<16x128xf32, #tpu.memory_space<vmem>>, %arg19: memref<1600xf32, #tpu.memory_space<vmem>>, %arg20: memref<1600xf32, #tpu.memory_space<vmem>>, %arg21: memref<2x16x128xf32, #tpu.memory_space<vmem_shared>>) attributes {dimension_semantics = [#tpu.dimension_semantics<core_parallel>, #tpu.dimension_semantics<subcore_parallel>], iteration_bounds = array<i64: 2, 16>, scalar_prefetch = 0 : i64, scratch_operands = 12 : i64, tpu.core_type = #tpu.core_type<sc_vector_subcore>, window_params = [{transform_indices = #map}, {transform_indices = #map}, {transform_indices = #map}, {transform_indices = #map}, {transform_indices = #map}, {transform_indices = #map}, {transform_indices = #map1}, {transform_indices = #map1}]} {
    %mul3A = arith.constant 1264 : i32
    %mul3A_0 = arith.muli %arg1, %mul3A : i32
    %iota3A = tpu.iota {dimensions = array<i32: 0>} : vector<16xi32>
    %broadcast_in_dim3A = arith.constant 0.000000e+00 : f32
    %broadcast_in_dim3A_1 = vector.broadcast %broadcast_in_dim3A : f32 to vector<16xf32>
    "tpu.region"() ({
      %run_scoped3A_53 = tpu.sem_alloc : memref<!tpu.dma_semaphore, #tpu.memory_space<semaphore_mem>>
      %dma_start3A = tpu.memref_slice %arg2[%mul3A_0] : memref<20224xf32, #tpu.memory_space<hbm>> -> memref<1264xf32, #tpu.memory_space<hbm>>
      %dma_start3A_54 = tpu.memref_slice %arg2[%mul3A_0] : memref<20224xf32, #tpu.memory_space<hbm>> -> memref<1264xf32, #tpu.memory_space<hbm>>
      tpu.enqueue_dma source(%dma_start3A_54 : memref<1264xf32, #tpu.memory_space<hbm>>) target(%arg10 : memref<1264xf32, #tpu.memory_space<vmem>>) target_semaphore(%run_scoped3A_53 : memref<!tpu.dma_semaphore, #tpu.memory_space<semaphore_mem>>)
      %dma_wait3A = tpu.memref_slice %arg2[%mul3A_0] : memref<20224xf32, #tpu.memory_space<hbm>> -> memref<1264xf32, #tpu.memory_space<hbm>>
      %dma_wait3A_55 = tpu.memref_slice %arg2[%mul3A_0] : memref<20224xf32, #tpu.memory_space<hbm>> -> memref<1264xf32, #tpu.memory_space<hbm>>
      tpu.wait_dma2 semaphore(%run_scoped3A_53 : memref<!tpu.dma_semaphore, #tpu.memory_space<semaphore_mem>>) src(%dma_wait3A_55 : memref<1264xf32, #tpu.memory_space<hbm>>) dst(%arg10 : memref<1264xf32, #tpu.memory_space<vmem>>)
      tpu.yield
    }) : () -> ()
    "tpu.region"() ({
      %run_scoped3A_53 = tpu.sem_alloc : memref<!tpu.dma_semaphore, #tpu.memory_space<semaphore_mem>>
      %dma_start3A = tpu.memref_slice %arg3[%mul3A_0] : memref<20224xf32, #tpu.memory_space<hbm>> -> memref<1264xf32, #tpu.memory_space<hbm>>
      %dma_start3A_54 = tpu.memref_slice %arg3[%mul3A_0] : memref<20224xf32, #tpu.memory_space<hbm>> -> memref<1264xf32, #tpu.memory_space<hbm>>
      tpu.enqueue_dma source(%dma_start3A_54 : memref<1264xf32, #tpu.memory_space<hbm>>) target(%arg11 : memref<1264xf32, #tpu.memory_space<vmem>>) target_semaphore(%run_scoped3A_53 : memref<!tpu.dma_semaphore, #tpu.memory_space<semaphore_mem>>)
      %dma_wait3A = tpu.memref_slice %arg3[%mul3A_0] : memref<20224xf32, #tpu.memory_space<hbm>> -> memref<1264xf32, #tpu.memory_space<hbm>>
      %dma_wait3A_55 = tpu.memref_slice %arg3[%mul3A_0] : memref<20224xf32, #tpu.memory_space<hbm>> -> memref<1264xf32, #tpu.memory_space<hbm>>
      tpu.wait_dma2 semaphore(%run_scoped3A_53 : memref<!tpu.dma_semaphore, #tpu.memory_space<semaphore_mem>>) src(%dma_wait3A_55 : memref<1264xf32, #tpu.memory_space<hbm>>) dst(%arg11 : memref<1264xf32, #tpu.memory_space<vmem>>)
      tpu.yield
    }) : () -> ()
    "tpu.region"() ({
      %run_scoped3A_53 = tpu.sem_alloc : memref<!tpu.dma_semaphore, #tpu.memory_space<semaphore_mem>>
      %dma_start3A = tpu.memref_slice %arg4[%mul3A_0] : memref<20224xf32, #tpu.memory_space<hbm>> -> memref<1264xf32, #tpu.memory_space<hbm>>
      %dma_start3A_54 = tpu.memref_slice %arg4[%mul3A_0] : memref<20224xf32, #tpu.memory_space<hbm>> -> memref<1264xf32, #tpu.memory_space<hbm>>
      tpu.enqueue_dma source(%dma_start3A_54 : memref<1264xf32, #tpu.memory_space<hbm>>) target(%arg12 : memref<1264xf32, #tpu.memory_space<vmem>>) target_semaphore(%run_scoped3A_53 : memref<!tpu.dma_semaphore, #tpu.memory_space<semaphore_mem>>)
      %dma_wait3A = tpu.memref_slice %arg4[%mul3A_0] : memref<20224xf32, #tpu.memory_space<hbm>> -> memref<1264xf32, #tpu.memory_space<hbm>>
      %dma_wait3A_55 = tpu.memref_slice %arg4[%mul3A_0] : memref<20224xf32, #tpu.memory_space<hbm>> -> memref<1264xf32, #tpu.memory_space<hbm>>
      tpu.wait_dma2 semaphore(%run_scoped3A_53 : memref<!tpu.dma_semaphore, #tpu.memory_space<semaphore_mem>>) src(%dma_wait3A_55 : memref<1264xf32, #tpu.memory_space<hbm>>) dst(%arg12 : memref<1264xf32, #tpu.memory_space<vmem>>)
      tpu.yield
    }) : () -> ()
    "tpu.region"() ({
      %run_scoped3A_53 = tpu.sem_alloc : memref<!tpu.dma_semaphore, #tpu.memory_space<semaphore_mem>>
      %dma_start3A = tpu.memref_slice %arg5[%mul3A_0] : memref<20224xf32, #tpu.memory_space<hbm>> -> memref<1264xf32, #tpu.memory_space<hbm>>
      %dma_start3A_54 = tpu.memref_slice %arg5[%mul3A_0] : memref<20224xf32, #tpu.memory_space<hbm>> -> memref<1264xf32, #tpu.memory_space<hbm>>
      tpu.enqueue_dma source(%dma_start3A_54 : memref<1264xf32, #tpu.memory_space<hbm>>) target(%arg13 : memref<1264xf32, #tpu.memory_space<vmem>>) target_semaphore(%run_scoped3A_53 : memref<!tpu.dma_semaphore, #tpu.memory_space<semaphore_mem>>)
      %dma_wait3A = tpu.memref_slice %arg5[%mul3A_0] : memref<20224xf32, #tpu.memory_space<hbm>> -> memref<1264xf32, #tpu.memory_space<hbm>>
      %dma_wait3A_55 = tpu.memref_slice %arg5[%mul3A_0] : memref<20224xf32, #tpu.memory_space<hbm>> -> memref<1264xf32, #tpu.memory_space<hbm>>
      tpu.wait_dma2 semaphore(%run_scoped3A_53 : memref<!tpu.dma_semaphore, #tpu.memory_space<semaphore_mem>>) src(%dma_wait3A_55 : memref<1264xf32, #tpu.memory_space<hbm>>) dst(%arg13 : memref<1264xf32, #tpu.memory_space<vmem>>)
      tpu.yield
    }) : () -> ()
    "tpu.region"() ({
      %run_scoped3A_53 = tpu.sem_alloc : memref<!tpu.dma_semaphore, #tpu.memory_space<semaphore_mem>>
      %dma_start3A = tpu.memref_slice %arg6[%mul3A_0] : memref<20224xf32, #tpu.memory_space<hbm>> -> memref<1264xf32, #tpu.memory_space<hbm>>
      %dma_start3A_54 = tpu.memref_slice %arg6[%mul3A_0] : memref<20224xf32, #tpu.memory_space<hbm>> -> memref<1264xf32, #tpu.memory_space<hbm>>
      tpu.enqueue_dma source(%dma_start3A_54 : memref<1264xf32, #tpu.memory_space<hbm>>) target(%arg14 : memref<1264xf32, #tpu.memory_space<vmem>>) target_semaphore(%run_scoped3A_53 : memref<!tpu.dma_semaphore, #tpu.memory_space<semaphore_mem>>)
      %dma_wait3A = tpu.memref_slice %arg6[%mul3A_0] : memref<20224xf32, #tpu.memory_space<hbm>> -> memref<1264xf32, #tpu.memory_space<hbm>>
      %dma_wait3A_55 = tpu.memref_slice %arg6[%mul3A_0] : memref<20224xf32, #tpu.memory_space<hbm>> -> memref<1264xf32, #tpu.memory_space<hbm>>
      tpu.wait_dma2 semaphore(%run_scoped3A_53 : memref<!tpu.dma_semaphore, #tpu.memory_space<semaphore_mem>>) src(%dma_wait3A_55 : memref<1264xf32, #tpu.memory_space<hbm>>) dst(%arg14 : memref<1264xf32, #tpu.memory_space<vmem>>)
      tpu.yield
    }) : () -> ()
    "tpu.region"() ({
      %run_scoped3A_53 = tpu.sem_alloc : memref<!tpu.dma_semaphore, #tpu.memory_space<semaphore_mem>>
      %dma_start3A = tpu.memref_slice %arg7[%mul3A_0] : memref<20224xf32, #tpu.memory_space<hbm>> -> memref<1264xf32, #tpu.memory_space<hbm>>
      %dma_start3A_54 = tpu.memref_slice %arg7[%mul3A_0] : memref<20224xf32, #tpu.memory_space<hbm>> -> memref<1264xf32, #tpu.memory_space<hbm>>
      tpu.enqueue_dma source(%dma_start3A_54 : memref<1264xf32, #tpu.memory_space<hbm>>) target(%arg15 : memref<1264xf32, #tpu.memory_space<vmem>>) target_semaphore(%run_scoped3A_53 : memref<!tpu.dma_semaphore, #tpu.memory_space<semaphore_mem>>)
      %dma_wait3A = tpu.memref_slice %arg7[%mul3A_0] : memref<20224xf32, #tpu.memory_space<hbm>> -> memref<1264xf32, #tpu.memory_space<hbm>>
      %dma_wait3A_55 = tpu.memref_slice %arg7[%mul3A_0] : memref<20224xf32, #tpu.memory_space<hbm>> -> memref<1264xf32, #tpu.memory_space<hbm>>
      tpu.wait_dma2 semaphore(%run_scoped3A_53 : memref<!tpu.dma_semaphore, #tpu.memory_space<semaphore_mem>>) src(%dma_wait3A_55 : memref<1264xf32, #tpu.memory_space<hbm>>) dst(%arg15 : memref<1264xf32, #tpu.memory_space<vmem>>)
      tpu.yield
    }) : () -> ()
    %scan3A = arith.constant 0 : i32
    %scan3A_2 = arith.constant 79 : i32
    %scan3A_3 = arith.addi %scan3A, %scan3A_2 : i32
    %scan3A_4 = arith.constant 1 : i32
    %scan3A_5 = scf.for %scan3A_53 = %scan3A to %scan3A_3 step %scan3A_4 iter_args(%scan3A_54 = %broadcast_in_dim3A_1) -> (vector<16xf32>)  : i32 {
      %mul3A_55 = arith.constant 16 : i32
      %mul3A_56 = arith.muli %scan3A_53, %mul3A_55 : i32
      %get3A = arith.index_cast %mul3A_56 : i32 to index
      %get3A_57 = tpu.vector_load %arg12[%get3A] {strides = array<i32>} : memref<1264xf32, #tpu.memory_space<vmem>>, vector<16xf32>,
      %mul3A_58 = arith.constant 16 : i32
      %mul3A_59 = arith.muli %scan3A_53, %mul3A_58 : i32
      %get3A_60 = arith.index_cast %mul3A_59 : i32 to index
      %get3A_61 = tpu.vector_load %arg13[%get3A_60] {strides = array<i32>} : memref<1264xf32, #tpu.memory_space<vmem>>, vector<16xf32>,
      %max3A = arith.maximumf %get3A_57, %get3A_61 : vector<16xf32>
      %max3A_62 = arith.maximumf %scan3A_54, %max3A : vector<16xf32>
      scf.yield %max3A_62 : vector<16xf32>
    }
    %scan3A_6 = arith.constant 79 : i32
    %reduce_max3A = arith.constant true
    %reduce_max3A_7 = vector.broadcast %reduce_max3A : i1 to vector<16xi1>
    %reduce_max3A_8 = tpu.scan <max>, %scan3A_5 masked %reduce_max3A_7 : vector<16xf32>, vector<16xi1> -> vector<16xf32>
    %reduce_max3A_9 = vector.extract %reduce_max3A_8[15] : f32 from vector<16xf32>
    %eq3A = arith.constant 0 : i32
    %eq3A_10 = vector.broadcast %eq3A : i32 to vector<16xi32>
    %eq3A_11 = arith.cmpi eq, %iota3A, %eq3A_10 : vector<16xi32>
    %jit3A = arith.constant 0.000000e+00 : f32
    %broadcast_in_dim3A_12 = vector.broadcast %reduce_max3A_9 : f32 to vector<16xf32>
    %broadcast_in_dim3A_13 = vector.broadcast %jit3A : f32 to vector<16xf32>
    %select_n3A = arith.select %eq3A_11, %broadcast_in_dim3A_12, %broadcast_in_dim3A_13 : vector<16xi1>, vector<16xf32>
    %swap3A = arith.constant 0 : index
    %swap3A_14 = tpu.vector_load %arg17[%swap3A] {strides = array<i32>} : memref<128xf32, #tpu.memory_space<vmem>>, vector<16xf32>,
    tpu.vector_store %arg17[%swap3A], %select_n3A {strides = array<i32>} : memref<128xf32, #tpu.memory_space<vmem>>, vector<16xf32>,
    %run_scoped3A = arith.constant 0 : i32
    "tpu.region"() ({
      %run_scoped3A_53 = tpu.sem_alloc : memref<!tpu.dma_semaphore, #tpu.memory_space<semaphore_mem>>
      %dma_start3A = arith.constant 0 : i32
      %dma_start3A_54 = tpu.memref_slice %arg21[%run_scoped3A, %arg1, %dma_start3A] : memref<2x16x128xf32, #tpu.memory_space<vmem_shared>> -> memref<1x1x128xf32, #tpu.memory_space<vmem_shared>>
      %dma_start3A_55 = tpu.memref_squeeze %dma_start3A_54 : memref<1x1x128xf32, #tpu.memory_space<vmem_shared>> -> memref<128xf32, #tpu.memory_space<vmem_shared>>
      %dma_start3A_56 = arith.constant 0 : i32
      %dma_start3A_57 = tpu.memref_slice %arg21[%run_scoped3A, %arg1, %dma_start3A_56] : memref<2x16x128xf32, #tpu.memory_space<vmem_shared>> -> memref<1x1x128xf32, #tpu.memory_space<vmem_shared>>
      %dma_start3A_58 = tpu.memref_squeeze %dma_start3A_57 : memref<1x1x128xf32, #tpu.memory_space<vmem_shared>> -> memref<128xf32, #tpu.memory_space<vmem_shared>>
      tpu.enqueue_dma source(%arg17 : memref<128xf32, #tpu.memory_space<vmem>>) target(%dma_start3A_58 : memref<128xf32, #tpu.memory_space<vmem_shared>>) target_semaphore(%run_scoped3A_53 : memref<!tpu.dma_semaphore, #tpu.memory_space<semaphore_mem>>)
      %dma_wait3A = arith.constant 0 : i32
      %dma_wait3A_59 = tpu.memref_slice %arg21[%run_scoped3A, %arg1, %dma_wait3A] : memref<2x16x128xf32, #tpu.memory_space<vmem_shared>> -> memref<1x1x128xf32, #tpu.memory_space<vmem_shared>>
      %dma_wait3A_60 = tpu.memref_squeeze %dma_wait3A_59 : memref<1x1x128xf32, #tpu.memory_space<vmem_shared>> -> memref<128xf32, #tpu.memory_space<vmem_shared>>
      %dma_wait3A_61 = arith.constant 0 : i32
      %dma_wait3A_62 = tpu.memref_slice %arg21[%run_scoped3A, %arg1, %dma_wait3A_61] : memref<2x16x128xf32, #tpu.memory_space<vmem_shared>> -> memref<1x1x128xf32, #tpu.memory_space<vmem_shared>>
      %dma_wait3A_63 = tpu.memref_squeeze %dma_wait3A_62 : memref<1x1x128xf32, #tpu.memory_space<vmem_shared>> -> memref<128xf32, #tpu.memory_space<vmem_shared>>
      tpu.wait_dma2 semaphore(%run_scoped3A_53 : memref<!tpu.dma_semaphore, #tpu.memory_space<semaphore_mem>>) src(%arg17 : memref<128xf32, #tpu.memory_space<vmem>>) dst(%dma_wait3A_63 : memref<128xf32, #tpu.memory_space<vmem_shared>>)
      tpu.yield
    }) : () -> ()
    %barrier3A = arith.constant 0 : index
    tpu.barrier barrier_id(%barrier3A)
    %run_scoped3A_15 = arith.constant 0 : i32
    "tpu.region"() ({
      %run_scoped3A_53 = tpu.sem_alloc : memref<!tpu.dma_semaphore, #tpu.memory_space<semaphore_mem>>
      %dma_start3A = arith.constant 0 : i32
      %dma_start3A_54 = arith.constant 0 : i32
      %dma_start3A_55 = tpu.memref_slice %arg21[%run_scoped3A_15, %dma_start3A, %dma_start3A_54] : memref<2x16x128xf32, #tpu.memory_space<vmem_shared>> -> memref<1x16x128xf32, #tpu.memory_space<vmem_shared>>
      %dma_start3A_56 = tpu.memref_squeeze %dma_start3A_55 : memref<1x16x128xf32, #tpu.memory_space<vmem_shared>> -> memref<16x128xf32, #tpu.memory_space<vmem_shared>>
      %dma_start3A_57 = arith.constant 0 : i32
      %dma_start3A_58 = arith.constant 0 : i32
      %dma_start3A_59 = tpu.memref_slice %arg21[%run_scoped3A_15, %dma_start3A_57, %dma_start3A_58] : memref<2x16x128xf32, #tpu.memory_space<vmem_shared>> -> memref<1x16x128xf32, #tpu.memory_space<vmem_shared>>
      %dma_start3A_60 = tpu.memref_squeeze %dma_start3A_59 : memref<1x16x128xf32, #tpu.memory_space<vmem_shared>> -> memref<16x128xf32, #tpu.memory_space<vmem_shared>>
      tpu.enqueue_dma source(%dma_start3A_60 : memref<16x128xf32, #tpu.memory_space<vmem_shared>>) target(%arg18 : memref<16x128xf32, #tpu.memory_space<vmem>>) target_semaphore(%run_scoped3A_53 : memref<!tpu.dma_semaphore, #tpu.memory_space<semaphore_mem>>)
      %dma_wait3A = arith.constant 0 : i32
      %dma_wait3A_61 = arith.constant 0 : i32
      %dma_wait3A_62 = tpu.memref_slice %arg21[%run_scoped3A_15, %dma_wait3A, %dma_wait3A_61] : memref<2x16x128xf32, #tpu.memory_space<vmem_shared>> -> memref<1x16x128xf32, #tpu.memory_space<vmem_shared>>
      %dma_wait3A_63 = tpu.memref_squeeze %dma_wait3A_62 : memref<1x16x128xf32, #tpu.memory_space<vmem_shared>> -> memref<16x128xf32, #tpu.memory_space<vmem_shared>>
      %dma_wait3A_64 = arith.constant 0 : i32
      %dma_wait3A_65 = arith.constant 0 : i32
      %dma_wait3A_66 = tpu.memref_slice %arg21[%run_scoped3A_15, %dma_wait3A_64, %dma_wait3A_65] : memref<2x16x128xf32, #tpu.memory_space<vmem_shared>> -> memref<1x16x128xf32, #tpu.memory_space<vmem_shared>>
      %dma_wait3A_67 = tpu.memref_squeeze %dma_wait3A_66 : memref<1x16x128xf32, #tpu.memory_space<vmem_shared>> -> memref<16x128xf32, #tpu.memory_space<vmem_shared>>
      tpu.wait_dma2 semaphore(%run_scoped3A_53 : memref<!tpu.dma_semaphore, #tpu.memory_space<semaphore_mem>>) src(%dma_wait3A_67 : memref<16x128xf32, #tpu.memory_space<vmem_shared>>) dst(%arg18 : memref<16x128xf32, #tpu.memory_space<vmem>>)
      tpu.yield
    }) : () -> ()
    %broadcast_in_dim3A_16 = arith.constant 0 : i32
    %broadcast_in_dim3A_17 = vector.broadcast %broadcast_in_dim3A_16 : i32 to vector<16xi32>
    %gather3A = tpu.vector_load_idx %arg18[%iota3A, %broadcast_in_dim3A_17] : memref<16x128xf32, #tpu.memory_space<vmem>>[vector<16xi32>, vector<16xi32>], vector<16xf32>,
    %reduce_max3A_18 = arith.constant true
    %reduce_max3A_19 = vector.broadcast %reduce_max3A_18 : i1 to vector<16xi1>
    %reduce_max3A_20 = tpu.scan <max>, %gather3A masked %reduce_max3A_19 : vector<16xf32>, vector<16xi1> -> vector<16xf32>
    %reduce_max3A_21 = vector.extract %reduce_max3A_20[15] : f32 from vector<16xf32>
    %add3A = arith.constant 1.000000e+00 : f32
    %add3A_22 = arith.addf %reduce_max3A_21, %add3A : f32
    %mul3A_23 = arith.constant 40 : i32
    %mul3A_24 = arith.muli %arg0, %mul3A_23 : i32
    %convert_element_type3A = arith.sitofp %mul3A_24 : i32 to f32
    %add3A_25 = arith.constant 4.000000e+01 : f32
    %add3A_26 = arith.addf %convert_element_type3A, %add3A_25 : f32
    %scan3A_27 = arith.constant 0 : i32
    %scan3A_28 = arith.constant 0 : i32
    %scan3A_29 = arith.constant 79 : i32
    %scan3A_30 = arith.addi %scan3A_28, %scan3A_29 : i32
    %scan3A_31 = arith.constant 1 : i32
    %scan3A_32 = scf.for %scan3A_53 = %scan3A_28 to %scan3A_30 step %scan3A_31 iter_args(%scan3A_54 = %scan3A_27) -> (i32)  : i32 {
      %mul3A_55 = arith.constant 16 : i32
      %mul3A_56 = arith.muli %scan3A_53, %mul3A_55 : i32
      %get3A = arith.index_cast %mul3A_56 : i32 to index
      %get3A_57 = tpu.vector_load %arg15[%get3A] {strides = array<i32>} : memref<1264xf32, #tpu.memory_space<vmem>>, vector<16xf32>,
      %mul3A_58 = vector.broadcast %add3A_22 : f32 to vector<16xf32>
      %mul3A_59 = arith.mulf %get3A_57, %mul3A_58 : vector<16xf32>
      %get3A_60 = arith.index_cast %mul3A_56 : i32 to index
      %get3A_61 = tpu.vector_load %arg10[%get3A_60] {strides = array<i32>} : memref<1264xf32, #tpu.memory_space<vmem>>, vector<16xf32>,
      %add3A_62 = arith.addf %get3A_61, %mul3A_59 : vector<16xf32>
      %get3A_63 = arith.index_cast %mul3A_56 : i32 to index
      %get3A_64 = tpu.vector_load %arg11[%get3A_63] {strides = array<i32>} : memref<1264xf32, #tpu.memory_space<vmem>>, vector<16xf32>,
      %add3A_65 = arith.addf %get3A_64, %mul3A_59 : vector<16xf32>
      %get3A_66 = arith.index_cast %mul3A_56 : i32 to index
      %get3A_67 = tpu.vector_load %arg12[%get3A_66] {strides = array<i32>} : memref<1264xf32, #tpu.memory_space<vmem>>, vector<16xf32>,
      %add3A_68 = arith.addf %get3A_67, %mul3A_59 : vector<16xf32>
      %get3A_69 = arith.index_cast %mul3A_56 : i32 to index
      %get3A_70 = tpu.vector_load %arg13[%get3A_69] {strides = array<i32>} : memref<1264xf32, #tpu.memory_space<vmem>>, vector<16xf32>,
      %add3A_71 = arith.addf %get3A_70, %mul3A_59 : vector<16xf32>
      %swap3A_72 = arith.index_cast %mul3A_56 : i32 to index
      %swap3A_73 = tpu.vector_load %arg10[%swap3A_72] {strides = array<i32>} : memref<1264xf32, #tpu.memory_space<vmem>>, vector<16xf32>,
      tpu.vector_store %arg10[%swap3A_72], %add3A_62 {strides = array<i32>} : memref<1264xf32, #tpu.memory_space<vmem>>, vector<16xf32>,
      %swap3A_74 = arith.index_cast %mul3A_56 : i32 to index
      %swap3A_75 = tpu.vector_load %arg11[%swap3A_74] {strides = array<i32>} : memref<1264xf32, #tpu.memory_space<vmem>>, vector<16xf32>,
      tpu.vector_store %arg11[%swap3A_74], %add3A_65 {strides = array<i32>} : memref<1264xf32, #tpu.memory_space<vmem>>, vector<16xf32>,
      %swap3A_76 = arith.index_cast %mul3A_56 : i32 to index
      %swap3A_77 = tpu.vector_load %arg12[%swap3A_76] {strides = array<i32>} : memref<1264xf32, #tpu.memory_space<vmem>>, vector<16xf32>,
      tpu.vector_store %arg12[%swap3A_76], %add3A_68 {strides = array<i32>} : memref<1264xf32, #tpu.memory_space<vmem>>, vector<16xf32>,
      %swap3A_78 = arith.index_cast %mul3A_56 : i32 to index
      %swap3A_79 = tpu.vector_load %arg13[%swap3A_78] {strides = array<i32>} : memref<1264xf32, #tpu.memory_space<vmem>>, vector<16xf32>,
      tpu.vector_store %arg13[%swap3A_78], %add3A_71 {strides = array<i32>} : memref<1264xf32, #tpu.memory_space<vmem>>, vector<16xf32>,
      %sub3A = arith.subf %add3A_68, %add3A_62 : vector<16xf32>
      %sub3A_80 = arith.subf %add3A_71, %add3A_65 : vector<16xf32>
      %mul3A_81 = arith.mulf %sub3A, %sub3A_80 : vector<16xf32>
      %swap3A_82 = arith.index_cast %mul3A_56 : i32 to index
      %swap3A_83 = tpu.vector_load %arg16[%swap3A_82] {strides = array<i32>} : memref<1264xf32, #tpu.memory_space<vmem>>, vector<16xf32>,
      tpu.vector_store %arg16[%swap3A_82], %mul3A_81 {strides = array<i32>} : memref<1264xf32, #tpu.memory_space<vmem>>, vector<16xf32>,
      %ge3A = vector.broadcast %convert_element_type3A : f32 to vector<16xf32>
      %ge3A_84 = arith.cmpf oge, %get3A_57, %ge3A : vector<16xf32>
      %lt3A = vector.broadcast %add3A_26 : f32 to vector<16xf32>
      %lt3A_85 = arith.cmpf olt, %get3A_57, %lt3A : vector<16xf32>
      %and3A = arith.andi %ge3A_84, %lt3A_85 : vector<16xi1>
      %get3A_86 = arith.index_cast %mul3A_56 : i32 to index
      %get3A_87 = tpu.vector_load %arg14[%get3A_86] {strides = array<i32>} : memref<1264xf32, #tpu.memory_space<vmem>>, vector<16xf32>,
      %jit3A_88 = arith.constant -1.000000e+00 : f32
      %broadcast_in_dim3A_89 = vector.broadcast %jit3A_88 : f32 to vector<16xf32>
      %select_n3A_90 = arith.select %and3A, %get3A_87, %broadcast_in_dim3A_89 : vector<16xi1>, vector<16xf32>
      %swap3A_91 = arith.index_cast %mul3A_56 : i32 to index
      %swap3A_92 = tpu.vector_load %arg14[%swap3A_91] {strides = array<i32>} : memref<1264xf32, #tpu.memory_space<vmem>>, vector<16xf32>,
      tpu.vector_store %arg14[%swap3A_91], %select_n3A_90 {strides = array<i32>} : memref<1264xf32, #tpu.memory_space<vmem>>, vector<16xf32>,
      %scan3A_93 = arith.constant 0 : i32
      scf.yield %scan3A_93 : i32
    }
    %scan3A_33 = arith.constant 79 : i32
    %broadcast_in_dim3A_34 = arith.constant -1.000000e+00 : f32
    %broadcast_in_dim3A_35 = vector.broadcast %broadcast_in_dim3A_34 : f32 to vector<16xf32>
    %scan3A_36 = arith.constant 0 : i32
    %scan3A_37 = arith.constant 79 : i32
    %scan3A_38 = arith.addi %scan3A_36, %scan3A_37 : i32
    %scan3A_39 = arith.constant 1 : i32
    %scan3A_40:4 = scf.for %scan3A_53 = %scan3A_36 to %scan3A_38 step %scan3A_39 iter_args(%scan3A_54 = %broadcast_in_dim3A_35, %scan3A_55 = %broadcast_in_dim3A_17, %scan3A_56 = %broadcast_in_dim3A_35, %scan3A_57 = %broadcast_in_dim3A_17) -> (vector<16xf32>, vector<16xi32>, vector<16xf32>, vector<16xi32>)  : i32 {
      %mul3A_58 = arith.constant 16 : i32
      %mul3A_59 = arith.muli %scan3A_53, %mul3A_58 : i32
      %get3A = arith.index_cast %mul3A_59 : i32 to index
      %get3A_60 = tpu.vector_load %arg14[%get3A] {strides = array<i32>} : memref<1264xf32, #tpu.memory_space<vmem>>, vector<16xf32>,
      %mul3A_61 = arith.constant 16 : i32
      %mul3A_62 = arith.muli %scan3A_53, %mul3A_61 : i32
      %add3A_63 = vector.broadcast %mul3A_62 : i32 to vector<16xi32>
      %add3A_64 = arith.addi %add3A_63, %iota3A : vector<16xi32>
      %gt3A = arith.cmpf ogt, %get3A_60, %scan3A_54 : vector<16xf32>
      %gt3A_65 = arith.cmpf ogt, %get3A_60, %scan3A_56 : vector<16xf32>
      %select_n3A_66 = arith.select %gt3A_65, %get3A_60, %scan3A_56 : vector<16xi1>, vector<16xf32>
      %select_n3A_67 = arith.select %gt3A, %scan3A_54, %select_n3A_66 : vector<16xi1>, vector<16xf32>
      %select_n3A_68 = arith.select %gt3A_65, %add3A_64, %scan3A_57 : vector<16xi1>, vector<16xi32>
      %select_n3A_69 = arith.select %gt3A, %scan3A_55, %select_n3A_68 : vector<16xi1>, vector<16xi32>
      %select_n3A_70 = arith.select %gt3A, %get3A_60, %scan3A_54 : vector<16xi1>, vector<16xf32>
      %select_n3A_71 = arith.select %gt3A, %add3A_64, %scan3A_55 : vector<16xi1>, vector<16xi32>
      scf.yield %select_n3A_70, %select_n3A_71, %select_n3A_67, %select_n3A_69 : vector<16xf32>, vector<16xi32>, vector<16xf32>, vector<16xi32>
    }
    %scan3A_41 = arith.constant 79 : i32
    %while3A = arith.constant 1000000000 : i32
    %while3A_42 = arith.constant 1.000000e+09 : f32
    %while3A_43 = arith.constant 0 : i32
    %while3A_44 = arith.constant 0 : i32
    %while3A_45:6 = scf.while (%while3A_53 = %while3A_43, %while3A_54 = %while3A_44, %while3A_55 = %scan3A_40#0, %while3A_56 = %scan3A_40#1, %while3A_57 = %scan3A_40#2, %while3A_58 = %scan3A_40#3) : (i32, i32, vector<16xf32>, vector<16xi32>, vector<16xf32>, vector<16xi32>) -> (i32, i32, vector<16xf32>, vector<16xi32>, vector<16xf32>, vector<16xi32>) {
      %lt3A = arith.constant 100 : i32
      %lt3A_59 = arith.cmpi slt, %while3A_53, %lt3A : i32
      scf.condition(%lt3A_59) %while3A_53, %while3A_54, %while3A_55, %while3A_56, %while3A_57, %while3A_58 : i32, i32, vector<16xf32>, vector<16xi32>, vector<16xf32>, vector<16xi32>
    } do {
    ^bb0(%while3A_53: i32, %while3A_54: i32, %while3A_55: vector<16xf32>, %while3A_56: vector<16xi32>, %while3A_57: vector<16xf32>, %while3A_58: vector<16xi32>):
      %reduce_max3A_59 = arith.constant true
      %reduce_max3A_60 = vector.broadcast %reduce_max3A_59 : i1 to vector<16xi1>
      %reduce_max3A_61 = tpu.scan <max>, %while3A_55 masked %reduce_max3A_60 : vector<16xf32>, vector<16xi1> -> vector<16xf32>
      %reduce_max3A_62 = vector.extract %reduce_max3A_61[15] : f32 from vector<16xf32>
      %eq3A_63 = vector.broadcast %reduce_max3A_62 : f32 to vector<16xf32>
      %eq3A_64 = arith.cmpf oeq, %while3A_55, %eq3A_63 : vector<16xf32>
      %broadcast_in_dim3A_65 = vector.broadcast %while3A : i32 to vector<16xi32>
      %select_n3A_66 = arith.select %eq3A_64, %while3A_56, %broadcast_in_dim3A_65 : vector<16xi1>, vector<16xi32>
      %reduce_min3A = arith.constant true
      %reduce_min3A_67 = vector.broadcast %reduce_min3A : i1 to vector<16xi1>
      %reduce_min3A_68 = arith.constant -2147483648 : i32
      %reduce_min3A_69 = vector.broadcast %reduce_min3A_68 : i32 to vector<16xi32>
      %reduce_min3A_70 = arith.xori %select_n3A_66, %reduce_min3A_69 : vector<16xi32>
      %reduce_min3A_71 = tpu.scan <min>, %reduce_min3A_70 masked %reduce_min3A_67 : vector<16xi32>, vector<16xi1> -> vector<16xi32>
      %reduce_min3A_72 = arith.xori %reduce_min3A_71, %reduce_min3A_69 : vector<16xi32>
      %reduce_min3A_73 = vector.extract %reduce_min3A_72[15] : i32 from vector<16xi32>
      %eq3A_74 = vector.broadcast %reduce_max3A_62 : f32 to vector<16xf32>
      %eq3A_75 = arith.cmpf oeq, %while3A_55, %eq3A_74 : vector<16xf32>
      %eq3A_76 = vector.broadcast %reduce_min3A_73 : i32 to vector<16xi32>
      %eq3A_77 = arith.cmpi eq, %while3A_56, %eq3A_76 : vector<16xi32>
      %and3A = arith.andi %eq3A_75, %eq3A_77 : vector<16xi1>
      %select_n3A_78 = arith.select %and3A, %while3A_57, %while3A_55 : vector<16xi1>, vector<16xf32>
      %select_n3A_79 = arith.select %and3A, %while3A_58, %while3A_56 : vector<16xi1>, vector<16xi32>
      %reduce_max3A_80 = arith.constant true
      %reduce_max3A_81 = vector.broadcast %reduce_max3A_80 : i1 to vector<16xi1>
      %reduce_max3A_82 = tpu.scan <max>, %select_n3A_78 masked %reduce_max3A_81 : vector<16xf32>, vector<16xi1> -> vector<16xf32>
      %reduce_max3A_83 = vector.extract %reduce_max3A_82[15] : f32 from vector<16xf32>
      %eq3A_84 = vector.broadcast %reduce_max3A_83 : f32 to vector<16xf32>
      %eq3A_85 = arith.cmpf oeq, %select_n3A_78, %eq3A_84 : vector<16xf32>
      %broadcast_in_dim3A_86 = vector.broadcast %while3A : i32 to vector<16xi32>
      %select_n3A_87 = arith.select %eq3A_85, %select_n3A_79, %broadcast_in_dim3A_86 : vector<16xi1>, vector<16xi32>
      %reduce_min3A_88 = arith.constant true
      %reduce_min3A_89 = vector.broadcast %reduce_min3A_88 : i1 to vector<16xi1>
      %reduce_min3A_90 = arith.constant -2147483648 : i32
      %reduce_min3A_91 = vector.broadcast %reduce_min3A_90 : i32 to vector<16xi32>
      %reduce_min3A_92 = arith.xori %select_n3A_87, %reduce_min3A_91 : vector<16xi32>
      %reduce_min3A_93 = tpu.scan <min>, %reduce_min3A_92 masked %reduce_min3A_89 : vector<16xi32>, vector<16xi1> -> vector<16xi32>
      %reduce_min3A_94 = arith.xori %reduce_min3A_93, %reduce_min3A_91 : vector<16xi32>
      %reduce_min3A_95 = vector.extract %reduce_min3A_94[15] : i32 from vector<16xi32>
      %min3A = arith.constant 1263 : i32
      %min3A_96 = arith.minsi %reduce_min3A_73, %min3A : i32
      %broadcast_in_dim3A_97 = vector.broadcast %min3A_96 : i32 to vector<16xi32>
      %min3A_98 = arith.constant 1263 : i32
      %min3A_99 = arith.minsi %reduce_min3A_95, %min3A_98 : i32
      %broadcast_in_dim3A_100 = vector.broadcast %min3A_99 : i32 to vector<16xi32>
      %eq3A_101 = arith.constant 0 : i32
      %eq3A_102 = vector.broadcast %eq3A_101 : i32 to vector<16xi32>
      %eq3A_103 = arith.cmpi eq, %iota3A, %eq3A_102 : vector<16xi32>
      %jit3A_104 = arith.constant 0.000000e+00 : f32
      %broadcast_in_dim3A_105 = vector.broadcast %reduce_max3A_62 : f32 to vector<16xf32>
      %broadcast_in_dim3A_106 = vector.broadcast %jit3A_104 : f32 to vector<16xf32>
      %select_n3A_107 = arith.select %eq3A_103, %broadcast_in_dim3A_105, %broadcast_in_dim3A_106 : vector<16xi1>, vector<16xf32>
      %eq3A_108 = arith.constant 1 : i32
      %eq3A_109 = vector.broadcast %eq3A_108 : i32 to vector<16xi32>
      %eq3A_110 = arith.cmpi eq, %iota3A, %eq3A_109 : vector<16xi32>
      %add3A_111 = arith.addi %mul3A_0, %reduce_min3A_73 : i32
      %convert_element_type3A_112 = arith.sitofp %add3A_111 : i32 to f32
      %broadcast_in_dim3A_113 = vector.broadcast %convert_element_type3A_112 : f32 to vector<16xf32>
      %select_n3A_114 = arith.select %eq3A_110, %broadcast_in_dim3A_113, %select_n3A_107 : vector<16xi1>, vector<16xf32>
      %eq3A_115 = arith.constant 2 : i32
      %eq3A_116 = vector.broadcast %eq3A_115 : i32 to vector<16xi32>
      %eq3A_117 = arith.cmpi eq, %iota3A, %eq3A_116 : vector<16xi32>
      %gather3A_118 = tpu.vector_load_idx %arg10[%broadcast_in_dim3A_97] : memref<1264xf32, #tpu.memory_space<vmem>>[vector<16xi32>], vector<16xf32>,
      %select_n3A_119 = arith.select %eq3A_117, %gather3A_118, %select_n3A_114 : vector<16xi1>, vector<16xf32>
      %eq3A_120 = arith.constant 3 : i32
      %eq3A_121 = vector.broadcast %eq3A_120 : i32 to vector<16xi32>
      %eq3A_122 = arith.cmpi eq, %iota3A, %eq3A_121 : vector<16xi32>
      %gather3A_123 = tpu.vector_load_idx %arg11[%broadcast_in_dim3A_97] : memref<1264xf32, #tpu.memory_space<vmem>>[vector<16xi32>], vector<16xf32>,
      %select_n3A_124 = arith.select %eq3A_122, %gather3A_123, %select_n3A_119 : vector<16xi1>, vector<16xf32>
      %eq3A_125 = arith.constant 4 : i32
      %eq3A_126 = vector.broadcast %eq3A_125 : i32 to vector<16xi32>
      %eq3A_127 = arith.cmpi eq, %iota3A, %eq3A_126 : vector<16xi32>
      %gather3A_128 = tpu.vector_load_idx %arg12[%broadcast_in_dim3A_97] : memref<1264xf32, #tpu.memory_space<vmem>>[vector<16xi32>], vector<16xf32>,
      %select_n3A_129 = arith.select %eq3A_127, %gather3A_128, %select_n3A_124 : vector<16xi1>, vector<16xf32>
      %eq3A_130 = arith.constant 5 : i32
      %eq3A_131 = vector.broadcast %eq3A_130 : i32 to vector<16xi32>
      %eq3A_132 = arith.cmpi eq, %iota3A, %eq3A_131 : vector<16xi32>
      %gather3A_133 = tpu.vector_load_idx %arg13[%broadcast_in_dim3A_97] : memref<1264xf32, #tpu.memory_space<vmem>>[vector<16xi32>], vector<16xf32>,
      %select_n3A_134 = arith.select %eq3A_132, %gather3A_133, %select_n3A_129 : vector<16xi1>, vector<16xf32>
      %eq3A_135 = arith.constant 6 : i32
      %eq3A_136 = vector.broadcast %eq3A_135 : i32 to vector<16xi32>
      %eq3A_137 = arith.cmpi eq, %iota3A, %eq3A_136 : vector<16xi32>
      %gather3A_138 = tpu.vector_load_idx %arg15[%broadcast_in_dim3A_97] : memref<1264xf32, #tpu.memory_space<vmem>>[vector<16xi32>], vector<16xf32>,
      %select_n3A_139 = arith.select %eq3A_137, %gather3A_138, %select_n3A_134 : vector<16xi1>, vector<16xf32>
      %eq3A_140 = arith.constant 7 : i32
      %eq3A_141 = vector.broadcast %eq3A_140 : i32 to vector<16xi32>
      %eq3A_142 = arith.cmpi eq, %iota3A, %eq3A_141 : vector<16xi32>
      %broadcast_in_dim3A_143 = vector.broadcast %reduce_max3A_83 : f32 to vector<16xf32>
      %select_n3A_144 = arith.select %eq3A_142, %broadcast_in_dim3A_143, %select_n3A_139 : vector<16xi1>, vector<16xf32>
      %eq3A_145 = arith.constant 8 : i32
      %eq3A_146 = vector.broadcast %eq3A_145 : i32 to vector<16xi32>
      %eq3A_147 = arith.cmpi eq, %iota3A, %eq3A_146 : vector<16xi32>
      %add3A_148 = arith.addi %mul3A_0, %reduce_min3A_95 : i32
      %convert_element_type3A_149 = arith.sitofp %add3A_148 : i32 to f32
      %broadcast_in_dim3A_150 = vector.broadcast %convert_element_type3A_149 : f32 to vector<16xf32>
      %select_n3A_151 = arith.select %eq3A_147, %broadcast_in_dim3A_150, %select_n3A_144 : vector<16xi1>, vector<16xf32>
      %eq3A_152 = arith.constant 9 : i32
      %eq3A_153 = vector.broadcast %eq3A_152 : i32 to vector<16xi32>
      %eq3A_154 = arith.cmpi eq, %iota3A, %eq3A_153 : vector<16xi32>
      %gather3A_155 = tpu.vector_load_idx %arg10[%broadcast_in_dim3A_100] : memref<1264xf32, #tpu.memory_space<vmem>>[vector<16xi32>], vector<16xf32>,
      %select_n3A_156 = arith.select %eq3A_154, %gather3A_155, %select_n3A_151 : vector<16xi1>, vector<16xf32>
      %eq3A_157 = arith.constant 10 : i32
      %eq3A_158 = vector.broadcast %eq3A_157 : i32 to vector<16xi32>
      %eq3A_159 = arith.cmpi eq, %iota3A, %eq3A_158 : vector<16xi32>
      %gather3A_160 = tpu.vector_load_idx %arg11[%broadcast_in_dim3A_100] : memref<1264xf32, #tpu.memory_space<vmem>>[vector<16xi32>], vector<16xf32>,
      %select_n3A_161 = arith.select %eq3A_159, %gather3A_160, %select_n3A_156 : vector<16xi1>, vector<16xf32>
      %eq3A_162 = arith.constant 11 : i32
      %eq3A_163 = vector.broadcast %eq3A_162 : i32 to vector<16xi32>
      %eq3A_164 = arith.cmpi eq, %iota3A, %eq3A_163 : vector<16xi32>
      %gather3A_165 = tpu.vector_load_idx %arg12[%broadcast_in_dim3A_100] : memref<1264xf32, #tpu.memory_space<vmem>>[vector<16xi32>], vector<16xf32>,
      %select_n3A_166 = arith.select %eq3A_164, %gather3A_165, %select_n3A_161 : vector<16xi1>, vector<16xf32>
      %eq3A_167 = arith.constant 12 : i32
      %eq3A_168 = vector.broadcast %eq3A_167 : i32 to vector<16xi32>
      %eq3A_169 = arith.cmpi eq, %iota3A, %eq3A_168 : vector<16xi32>
      %gather3A_170 = tpu.vector_load_idx %arg13[%broadcast_in_dim3A_100] : memref<1264xf32, #tpu.memory_space<vmem>>[vector<16xi32>], vector<16xf32>,
      %select_n3A_171 = arith.select %eq3A_169, %gather3A_170, %select_n3A_166 : vector<16xi1>, vector<16xf32>
      %eq3A_172 = arith.constant 13 : i32
      %eq3A_173 = vector.broadcast %eq3A_172 : i32 to vector<16xi32>
      %eq3A_174 = arith.cmpi eq, %iota3A, %eq3A_173 : vector<16xi32>
      %gather3A_175 = tpu.vector_load_idx %arg15[%broadcast_in_dim3A_100] : memref<1264xf32, #tpu.memory_space<vmem>>[vector<16xi32>], vector<16xf32>,
      %select_n3A_176 = arith.select %eq3A_174, %gather3A_175, %select_n3A_171 : vector<16xi1>, vector<16xf32>
      %swap3A_177 = arith.constant 0 : index
      %swap3A_178 = tpu.vector_load %arg17[%swap3A_177] {strides = array<i32>} : memref<128xf32, #tpu.memory_space<vmem>>, vector<16xf32>,
      tpu.vector_store %arg17[%swap3A_177], %select_n3A_176 {strides = array<i32>} : memref<128xf32, #tpu.memory_space<vmem>>, vector<16xf32>,
      %add3A_179 = arith.constant 1 : i32
      %add3A_180 = arith.addi %while3A_54, %add3A_179 : i32
      %rem3A = arith.constant 2 : i32
      %rem3A_181 = arith.remsi %add3A_180, %rem3A : i32
      "tpu.region"() ({
        %run_scoped3A_518 = tpu.sem_alloc : memref<!tpu.dma_semaphore, #tpu.memory_space<semaphore_mem>>
        %dma_start3A = arith.constant 0 : i32
        %dma_start3A_519 = tpu.memref_slice %arg21[%rem3A_181, %arg1, %dma_start3A] : memref<2x16x128xf32, #tpu.memory_space<vmem_shared>> -> memref<1x1x128xf32, #tpu.memory_space<vmem_shared>>
        %dma_start3A_520 = tpu.memref_squeeze %dma_start3A_519 : memref<1x1x128xf32, #tpu.memory_space<vmem_shared>> -> memref<128xf32, #tpu.memory_space<vmem_shared>>
        %dma_start3A_521 = arith.constant 0 : i32
        %dma_start3A_522 = tpu.memref_slice %arg21[%rem3A_181, %arg1, %dma_start3A_521] : memref<2x16x128xf32, #tpu.memory_space<vmem_shared>> -> memref<1x1x128xf32, #tpu.memory_space<vmem_shared>>
        %dma_start3A_523 = tpu.memref_squeeze %dma_start3A_522 : memref<1x1x128xf32, #tpu.memory_space<vmem_shared>> -> memref<128xf32, #tpu.memory_space<vmem_shared>>
        tpu.enqueue_dma source(%arg17 : memref<128xf32, #tpu.memory_space<vmem>>) target(%dma_start3A_523 : memref<128xf32, #tpu.memory_space<vmem_shared>>) target_semaphore(%run_scoped3A_518 : memref<!tpu.dma_semaphore, #tpu.memory_space<semaphore_mem>>)
        %dma_wait3A = arith.constant 0 : i32
        %dma_wait3A_524 = tpu.memref_slice %arg21[%rem3A_181, %arg1, %dma_wait3A] : memref<2x16x128xf32, #tpu.memory_space<vmem_shared>> -> memref<1x1x128xf32, #tpu.memory_space<vmem_shared>>
        %dma_wait3A_525 = tpu.memref_squeeze %dma_wait3A_524 : memref<1x1x128xf32, #tpu.memory_space<vmem_shared>> -> memref<128xf32, #tpu.memory_space<vmem_shared>>
        %dma_wait3A_526 = arith.constant 0 : i32
        %dma_wait3A_527 = tpu.memref_slice %arg21[%rem3A_181, %arg1, %dma_wait3A_526] : memref<2x16x128xf32, #tpu.memory_space<vmem_shared>> -> memref<1x1x128xf32, #tpu.memory_space<vmem_shared>>
        %dma_wait3A_528 = tpu.memref_squeeze %dma_wait3A_527 : memref<1x1x128xf32, #tpu.memory_space<vmem_shared>> -> memref<128xf32, #tpu.memory_space<vmem_shared>>
        tpu.wait_dma2 semaphore(%run_scoped3A_518 : memref<!tpu.dma_semaphore, #tpu.memory_space<semaphore_mem>>) src(%arg17 : memref<128xf32, #tpu.memory_space<vmem>>) dst(%dma_wait3A_528 : memref<128xf32, #tpu.memory_space<vmem_shared>>)
        tpu.yield
      }) : () -> ()
      %barrier3A_182 = arith.constant 0 : index
      tpu.barrier barrier_id(%barrier3A_182)
      "tpu.region"() ({
        %run_scoped3A_518 = tpu.sem_alloc : memref<!tpu.dma_semaphore, #tpu.memory_space<semaphore_mem>>
        %dma_start3A = arith.constant 0 : i32
        %dma_start3A_519 = arith.constant 0 : i32
        %dma_start3A_520 = tpu.memref_slice %arg21[%rem3A_181, %dma_start3A, %dma_start3A_519] : memref<2x16x128xf32, #tpu.memory_space<vmem_shared>> -> memref<1x16x128xf32, #tpu.memory_space<vmem_shared>>
        %dma_start3A_521 = tpu.memref_squeeze %dma_start3A_520 : memref<1x16x128xf32, #tpu.memory_space<vmem_shared>> -> memref<16x128xf32, #tpu.memory_space<vmem_shared>>
        %dma_start3A_522 = arith.constant 0 : i32
        %dma_start3A_523 = arith.constant 0 : i32
        %dma_start3A_524 = tpu.memref_slice %arg21[%rem3A_181, %dma_start3A_522, %dma_start3A_523] : memref<2x16x128xf32, #tpu.memory_space<vmem_shared>> -> memref<1x16x128xf32, #tpu.memory_space<vmem_shared>>
        %dma_start3A_525 = tpu.memref_squeeze %dma_start3A_524 : memref<1x16x128xf32, #tpu.memory_space<vmem_shared>> -> memref<16x128xf32, #tpu.memory_space<vmem_shared>>
        tpu.enqueue_dma source(%dma_start3A_525 : memref<16x128xf32, #tpu.memory_space<vmem_shared>>) target(%arg18 : memref<16x128xf32, #tpu.memory_space<vmem>>) target_semaphore(%run_scoped3A_518 : memref<!tpu.dma_semaphore, #tpu.memory_space<semaphore_mem>>)
        %dma_wait3A = arith.constant 0 : i32
        %dma_wait3A_526 = arith.constant 0 : i32
        %dma_wait3A_527 = tpu.memref_slice %arg21[%rem3A_181, %dma_wait3A, %dma_wait3A_526] : memref<2x16x128xf32, #tpu.memory_space<vmem_shared>> -> memref<1x16x128xf32, #tpu.memory_space<vmem_shared>>
        %dma_wait3A_528 = tpu.memref_squeeze %dma_wait3A_527 : memref<1x16x128xf32, #tpu.memory_space<vmem_shared>> -> memref<16x128xf32, #tpu.memory_space<vmem_shared>>
        %dma_wait3A_529 = arith.constant 0 : i32
        %dma_wait3A_530 = arith.constant 0 : i32
        %dma_wait3A_531 = tpu.memref_slice %arg21[%rem3A_181, %dma_wait3A_529, %dma_wait3A_530] : memref<2x16x128xf32, #tpu.memory_space<vmem_shared>> -> memref<1x16x128xf32, #tpu.memory_space<vmem_shared>>
        %dma_wait3A_532 = tpu.memref_squeeze %dma_wait3A_531 : memref<1x16x128xf32, #tpu.memory_space<vmem_shared>> -> memref<16x128xf32, #tpu.memory_space<vmem_shared>>
        tpu.wait_dma2 semaphore(%run_scoped3A_518 : memref<!tpu.dma_semaphore, #tpu.memory_space<semaphore_mem>>) src(%dma_wait3A_532 : memref<16x128xf32, #tpu.memory_space<vmem_shared>>) dst(%arg18 : memref<16x128xf32, #tpu.memory_space<vmem>>)
        tpu.yield
      }) : () -> ()
      %broadcast_in_dim3A_183 = arith.constant 0 : i32
      %broadcast_in_dim3A_184 = vector.broadcast %broadcast_in_dim3A_183 : i32 to vector<16xi32>
      %gather3A_185 = tpu.vector_load_idx %arg18[%iota3A, %broadcast_in_dim3A_184] : memref<16x128xf32, #tpu.memory_space<vmem>>[vector<16xi32>, vector<16xi32>], vector<16xf32>,
      %broadcast_in_dim3A_186 = arith.constant 1 : i32
      %broadcast_in_dim3A_187 = vector.broadcast %broadcast_in_dim3A_186 : i32 to vector<16xi32>
      %gather3A_188 = tpu.vector_load_idx %arg18[%iota3A, %broadcast_in_dim3A_187] : memref<16x128xf32, #tpu.memory_space<vmem>>[vector<16xi32>, vector<16xi32>], vector<16xf32>,
      %broadcast_in_dim3A_189 = arith.constant 2 : i32
      %broadcast_in_dim3A_190 = vector.broadcast %broadcast_in_dim3A_189 : i32 to vector<16xi32>
      %gather3A_191 = tpu.vector_load_idx %arg18[%iota3A, %broadcast_in_dim3A_190] : memref<16x128xf32, #tpu.memory_space<vmem>>[vector<16xi32>, vector<16xi32>], vector<16xf32>,
      %broadcast_in_dim3A_192 = arith.constant 3 : i32
      %broadcast_in_dim3A_193 = vector.broadcast %broadcast_in_dim3A_192 : i32 to vector<16xi32>
      %gather3A_194 = tpu.vector_load_idx %arg18[%iota3A, %broadcast_in_dim3A_193] : memref<16x128xf32, #tpu.memory_space<vmem>>[vector<16xi32>, vector<16xi32>], vector<16xf32>,
      %broadcast_in_dim3A_195 = arith.constant 4 : i32
      %broadcast_in_dim3A_196 = vector.broadcast %broadcast_in_dim3A_195 : i32 to vector<16xi32>
      %gather3A_197 = tpu.vector_load_idx %arg18[%iota3A, %broadcast_in_dim3A_196] : memref<16x128xf32, #tpu.memory_space<vmem>>[vector<16xi32>, vector<16xi32>], vector<16xf32>,
      %broadcast_in_dim3A_198 = arith.constant 5 : i32
      %broadcast_in_dim3A_199 = vector.broadcast %broadcast_in_dim3A_198 : i32 to vector<16xi32>
      %gather3A_200 = tpu.vector_load_idx %arg18[%iota3A, %broadcast_in_dim3A_199] : memref<16x128xf32, #tpu.memory_space<vmem>>[vector<16xi32>, vector<16xi32>], vector<16xf32>,
      %broadcast_in_dim3A_201 = arith.constant 6 : i32
      %broadcast_in_dim3A_202 = vector.broadcast %broadcast_in_dim3A_201 : i32 to vector<16xi32>
      %gather3A_203 = tpu.vector_load_idx %arg18[%iota3A, %broadcast_in_dim3A_202] : memref<16x128xf32, #tpu.memory_space<vmem>>[vector<16xi32>, vector<16xi32>], vector<16xf32>,
      %reduce_max3A_204 = arith.constant true
      %reduce_max3A_205 = vector.broadcast %reduce_max3A_204 : i1 to vector<16xi1>
      %reduce_max3A_206 = tpu.scan <max>, %gather3A_185 masked %reduce_max3A_205 : vector<16xf32>, vector<16xi1> -> vector<16xf32>
      %reduce_max3A_207 = vector.extract %reduce_max3A_206[15] : f32 from vector<16xf32>
      %ge3A = arith.constant 0.000000e+00 : f32
      %ge3A_208 = arith.cmpf oge, %reduce_max3A_207, %ge3A : f32
      %eq3A_209 = vector.broadcast %reduce_max3A_207 : f32 to vector<16xf32>
      %eq3A_210 = arith.cmpf oeq, %gather3A_185, %eq3A_209 : vector<16xf32>
      %broadcast_in_dim3A_211 = vector.broadcast %while3A_42 : f32 to vector<16xf32>
      %select_n3A_212 = arith.select %eq3A_210, %gather3A_188, %broadcast_in_dim3A_211 : vector<16xi1>, vector<16xf32>
      %reduce_min3A_213 = arith.constant true
      %reduce_min3A_214 = vector.broadcast %reduce_min3A_213 : i1 to vector<16xi1>
      %reduce_min3A_215 = tpu.scan <min>, %select_n3A_212 masked %reduce_min3A_214 : vector<16xf32>, vector<16xi1> -> vector<16xf32>
      %reduce_min3A_216 = vector.extract %reduce_min3A_215[15] : f32 from vector<16xf32>
      %eq3A_217 = vector.broadcast %reduce_max3A_207 : f32 to vector<16xf32>
      %eq3A_218 = arith.cmpf oeq, %gather3A_185, %eq3A_217 : vector<16xf32>
      %eq3A_219 = vector.broadcast %reduce_min3A_216 : f32 to vector<16xf32>
      %eq3A_220 = arith.cmpf oeq, %gather3A_188, %eq3A_219 : vector<16xf32>
      %and3A_221 = arith.andi %eq3A_218, %eq3A_220 : vector<16xi1>
      %jit3A_222 = arith.constant 0.000000e+00 : f32
      %broadcast_in_dim3A_223 = vector.broadcast %jit3A_222 : f32 to vector<16xf32>
      %select_n3A_224 = arith.select %and3A_221, %gather3A_191, %broadcast_in_dim3A_223 : vector<16xi1>, vector<16xf32>
      %reduce_sum3A = arith.constant true
      %reduce_sum3A_225 = vector.broadcast %reduce_sum3A : i1 to vector<16xi1>
      %reduce_sum3A_226 = tpu.scan <sum>, %select_n3A_224 masked %reduce_sum3A_225 : vector<16xf32>, vector<16xi1> -> vector<16xf32>
      %reduce_sum3A_227 = vector.extract %reduce_sum3A_226[15] : f32 from vector<16xf32>
      %jit3A_228 = arith.constant 0.000000e+00 : f32
      %broadcast_in_dim3A_229 = vector.broadcast %jit3A_228 : f32 to vector<16xf32>
      %select_n3A_230 = arith.select %and3A_221, %gather3A_194, %broadcast_in_dim3A_229 : vector<16xi1>, vector<16xf32>
      %reduce_sum3A_231 = arith.constant true
      %reduce_sum3A_232 = vector.broadcast %reduce_sum3A_231 : i1 to vector<16xi1>
      %reduce_sum3A_233 = tpu.scan <sum>, %select_n3A_230 masked %reduce_sum3A_232 : vector<16xf32>, vector<16xi1> -> vector<16xf32>
      %reduce_sum3A_234 = vector.extract %reduce_sum3A_233[15] : f32 from vector<16xf32>
      %jit3A_235 = arith.constant 0.000000e+00 : f32
      %broadcast_in_dim3A_236 = vector.broadcast %jit3A_235 : f32 to vector<16xf32>
      %select_n3A_237 = arith.select %and3A_221, %gather3A_197, %broadcast_in_dim3A_236 : vector<16xi1>, vector<16xf32>
      %reduce_sum3A_238 = arith.constant true
      %reduce_sum3A_239 = vector.broadcast %reduce_sum3A_238 : i1 to vector<16xi1>
      %reduce_sum3A_240 = tpu.scan <sum>, %select_n3A_237 masked %reduce_sum3A_239 : vector<16xf32>, vector<16xi1> -> vector<16xf32>
      %reduce_sum3A_241 = vector.extract %reduce_sum3A_240[15] : f32 from vector<16xf32>
      %jit3A_242 = arith.constant 0.000000e+00 : f32
      %broadcast_in_dim3A_243 = vector.broadcast %jit3A_242 : f32 to vector<16xf32>
      %select_n3A_244 = arith.select %and3A_221, %gather3A_200, %broadcast_in_dim3A_243 : vector<16xi1>, vector<16xf32>
      %reduce_sum3A_245 = arith.constant true
      %reduce_sum3A_246 = vector.broadcast %reduce_sum3A_245 : i1 to vector<16xi1>
      %reduce_sum3A_247 = tpu.scan <sum>, %select_n3A_244 masked %reduce_sum3A_246 : vector<16xf32>, vector<16xi1> -> vector<16xf32>
      %reduce_sum3A_248 = vector.extract %reduce_sum3A_247[15] : f32 from vector<16xf32>
      %jit3A_249 = arith.constant 0.000000e+00 : f32
      %broadcast_in_dim3A_250 = vector.broadcast %jit3A_249 : f32 to vector<16xf32>
      %select_n3A_251 = arith.select %and3A_221, %gather3A_203, %broadcast_in_dim3A_250 : vector<16xi1>, vector<16xf32>
      %reduce_sum3A_252 = arith.constant true
      %reduce_sum3A_253 = vector.broadcast %reduce_sum3A_252 : i1 to vector<16xi1>
      %reduce_sum3A_254 = tpu.scan <sum>, %select_n3A_251 masked %reduce_sum3A_253 : vector<16xf32>, vector<16xi1> -> vector<16xf32>
      %reduce_sum3A_255 = vector.extract %reduce_sum3A_254[15] : f32 from vector<16xf32>
      %sub3A = arith.subf %reduce_sum3A_241, %reduce_sum3A_227 : f32
      %sub3A_256 = arith.subf %reduce_sum3A_248, %reduce_sum3A_234 : f32
      %mul3A_257 = arith.mulf %sub3A, %sub3A_256 : f32
      %broadcast_in_dim3A_258 = arith.constant 7 : i32
      %broadcast_in_dim3A_259 = vector.broadcast %broadcast_in_dim3A_258 : i32 to vector<16xi32>
      %gather3A_260 = tpu.vector_load_idx %arg18[%iota3A, %broadcast_in_dim3A_259] : memref<16x128xf32, #tpu.memory_space<vmem>>[vector<16xi32>, vector<16xi32>], vector<16xf32>,
      %broadcast_in_dim3A_261 = arith.constant 8 : i32
      %broadcast_in_dim3A_262 = vector.broadcast %broadcast_in_dim3A_261 : i32 to vector<16xi32>
      %gather3A_263 = tpu.vector_load_idx %arg18[%iota3A, %broadcast_in_dim3A_262] : memref<16x128xf32, #tpu.memory_space<vmem>>[vector<16xi32>, vector<16xi32>], vector<16xf32>,
      %broadcast_in_dim3A_264 = arith.constant 9 : i32
      %broadcast_in_dim3A_265 = vector.broadcast %broadcast_in_dim3A_264 : i32 to vector<16xi32>
      %gather3A_266 = tpu.vector_load_idx %arg18[%iota3A, %broadcast_in_dim3A_265] : memref<16x128xf32, #tpu.memory_space<vmem>>[vector<16xi32>, vector<16xi32>], vector<16xf32>,
      %broadcast_in_dim3A_267 = arith.constant 10 : i32
      %broadcast_in_dim3A_268 = vector.broadcast %broadcast_in_dim3A_267 : i32 to vector<16xi32>
      %gather3A_269 = tpu.vector_load_idx %arg18[%iota3A, %broadcast_in_dim3A_268] : memref<16x128xf32, #tpu.memory_space<vmem>>[vector<16xi32>, vector<16xi32>], vector<16xf32>,
      %broadcast_in_dim3A_270 = arith.constant 11 : i32
      %broadcast_in_dim3A_271 = vector.broadcast %broadcast_in_dim3A_270 : i32 to vector<16xi32>
      %gather3A_272 = tpu.vector_load_idx %arg18[%iota3A, %broadcast_in_dim3A_271] : memref<16x128xf32, #tpu.memory_space<vmem>>[vector<16xi32>, vector<16xi32>], vector<16xf32>,
      %broadcast_in_dim3A_273 = arith.constant 12 : i32
      %broadcast_in_dim3A_274 = vector.broadcast %broadcast_in_dim3A_273 : i32 to vector<16xi32>
      %gather3A_275 = tpu.vector_load_idx %arg18[%iota3A, %broadcast_in_dim3A_274] : memref<16x128xf32, #tpu.memory_space<vmem>>[vector<16xi32>, vector<16xi32>], vector<16xf32>,
      %broadcast_in_dim3A_276 = arith.constant 13 : i32
      %broadcast_in_dim3A_277 = vector.broadcast %broadcast_in_dim3A_276 : i32 to vector<16xi32>
      %gather3A_278 = tpu.vector_load_idx %arg18[%iota3A, %broadcast_in_dim3A_277] : memref<16x128xf32, #tpu.memory_space<vmem>>[vector<16xi32>, vector<16xi32>], vector<16xf32>,
      %min3A_279 = vector.broadcast %reduce_sum3A_241 : f32 to vector<16xf32>
      %min3A_280 = arith.minimumf %min3A_279, %gather3A_197 : vector<16xf32>
      %max3A = vector.broadcast %reduce_sum3A_227 : f32 to vector<16xf32>
      %max3A_281 = arith.maximumf %max3A, %gather3A_191 : vector<16xf32>
      %sub3A_282 = arith.subf %min3A_280, %max3A_281 : vector<16xf32>
      %max3A_283 = arith.constant 0.000000e+00 : f32
      %max3A_284 = vector.broadcast %max3A_283 : f32 to vector<16xf32>
      %max3A_285 = arith.maximumf %sub3A_282, %max3A_284 : vector<16xf32>
      %min3A_286 = vector.broadcast %reduce_sum3A_248 : f32 to vector<16xf32>
      %min3A_287 = arith.minimumf %min3A_286, %gather3A_200 : vector<16xf32>
      %max3A_288 = vector.broadcast %reduce_sum3A_234 : f32 to vector<16xf32>
      %max3A_289 = arith.maximumf %max3A_288, %gather3A_194 : vector<16xf32>
      %sub3A_290 = arith.subf %min3A_287, %max3A_289 : vector<16xf32>
      %max3A_291 = arith.constant 0.000000e+00 : f32
      %max3A_292 = vector.broadcast %max3A_291 : f32 to vector<16xf32>
      %max3A_293 = arith.maximumf %sub3A_290, %max3A_292 : vector<16xf32>
      %mul3A_294 = arith.mulf %max3A_285, %max3A_293 : vector<16xf32>
      %sub3A_295 = arith.subf %gather3A_197, %gather3A_191 : vector<16xf32>
      %sub3A_296 = arith.subf %gather3A_200, %gather3A_194 : vector<16xf32>
      %mul3A_297 = arith.mulf %sub3A_295, %sub3A_296 : vector<16xf32>
      %add3A_298 = vector.broadcast %mul3A_257 : f32 to vector<16xf32>
      %add3A_299 = arith.addf %add3A_298, %mul3A_297 : vector<16xf32>
      %sub3A_300 = arith.subf %add3A_299, %mul3A_294 : vector<16xf32>
      %div3A = arith.divf %mul3A_294, %sub3A_300 : vector<16xf32>
      %min3A_301 = vector.broadcast %reduce_sum3A_241 : f32 to vector<16xf32>
      %min3A_302 = arith.minimumf %min3A_301, %gather3A_272 : vector<16xf32>
      %max3A_303 = vector.broadcast %reduce_sum3A_227 : f32 to vector<16xf32>
      %max3A_304 = arith.maximumf %max3A_303, %gather3A_266 : vector<16xf32>
      %sub3A_305 = arith.subf %min3A_302, %max3A_304 : vector<16xf32>
      %max3A_306 = arith.constant 0.000000e+00 : f32
      %max3A_307 = vector.broadcast %max3A_306 : f32 to vector<16xf32>
      %max3A_308 = arith.maximumf %sub3A_305, %max3A_307 : vector<16xf32>
      %min3A_309 = vector.broadcast %reduce_sum3A_248 : f32 to vector<16xf32>
      %min3A_310 = arith.minimumf %min3A_309, %gather3A_275 : vector<16xf32>
      %max3A_311 = vector.broadcast %reduce_sum3A_234 : f32 to vector<16xf32>
      %max3A_312 = arith.maximumf %max3A_311, %gather3A_269 : vector<16xf32>
      %sub3A_313 = arith.subf %min3A_310, %max3A_312 : vector<16xf32>
      %max3A_314 = arith.constant 0.000000e+00 : f32
      %max3A_315 = vector.broadcast %max3A_314 : f32 to vector<16xf32>
      %max3A_316 = arith.maximumf %sub3A_313, %max3A_315 : vector<16xf32>
      %mul3A_317 = arith.mulf %max3A_308, %max3A_316 : vector<16xf32>
      %sub3A_318 = arith.subf %gather3A_272, %gather3A_266 : vector<16xf32>
      %sub3A_319 = arith.subf %gather3A_275, %gather3A_269 : vector<16xf32>
      %mul3A_320 = arith.mulf %sub3A_318, %sub3A_319 : vector<16xf32>
      %add3A_321 = vector.broadcast %mul3A_257 : f32 to vector<16xf32>
      %add3A_322 = arith.addf %add3A_321, %mul3A_320 : vector<16xf32>
      %sub3A_323 = arith.subf %add3A_322, %mul3A_317 : vector<16xf32>
      %div3A_324 = arith.divf %mul3A_317, %sub3A_323 : vector<16xf32>
      %lt3A = arith.constant 6.500000e-01 : f32
      %lt3A_325 = vector.broadcast %lt3A : f32 to vector<16xf32>
      %lt3A_326 = arith.cmpf olt, %div3A, %lt3A_325 : vector<16xf32>
      %eq3A_327 = vector.broadcast %reduce_min3A_216 : f32 to vector<16xf32>
      %eq3A_328 = arith.cmpf oeq, %gather3A_188, %eq3A_327 : vector<16xf32>
      %or3A = arith.ori %lt3A_326, %eq3A_328 : vector<16xi1>
      %lt3A_329 = arith.constant 0.000000e+00 : f32
      %lt3A_330 = vector.broadcast %lt3A_329 : f32 to vector<16xf32>
      %lt3A_331 = arith.cmpf olt, %gather3A_185, %lt3A_330 : vector<16xf32>
      %or3A_332 = arith.ori %or3A, %lt3A_331 : vector<16xi1>
      %lt3A_333 = arith.constant 6.500000e-01 : f32
      %lt3A_334 = vector.broadcast %lt3A_333 : f32 to vector<16xf32>
      %lt3A_335 = arith.cmpf olt, %div3A_324, %lt3A_334 : vector<16xf32>
      %lt3A_336 = arith.constant 0.000000e+00 : f32
      %lt3A_337 = vector.broadcast %lt3A_336 : f32 to vector<16xf32>
      %lt3A_338 = arith.cmpf olt, %gather3A_260, %lt3A_337 : vector<16xf32>
      %or3A_339 = arith.ori %lt3A_335, %lt3A_338 : vector<16xi1>
      %eq3A_340 = vector.broadcast %reduce_min3A_216 : f32 to vector<16xf32>
      %eq3A_341 = arith.cmpf oeq, %gather3A_188, %eq3A_340 : vector<16xf32>
      %select_n3A_342 = arith.select %eq3A_341, %gather3A_260, %gather3A_185 : vector<16xi1>, vector<16xf32>
      %select_n3A_343 = arith.select %eq3A_341, %gather3A_263, %gather3A_188 : vector<16xi1>, vector<16xf32>
      %select_n3A_344 = arith.select %eq3A_341, %gather3A_266, %gather3A_191 : vector<16xi1>, vector<16xf32>
      %select_n3A_345 = arith.select %eq3A_341, %gather3A_269, %gather3A_194 : vector<16xi1>, vector<16xf32>
      %select_n3A_346 = arith.select %eq3A_341, %gather3A_272, %gather3A_197 : vector<16xi1>, vector<16xf32>
      %select_n3A_347 = arith.select %eq3A_341, %gather3A_275, %gather3A_200 : vector<16xi1>, vector<16xf32>
      %select_n3A_348 = arith.select %eq3A_341, %gather3A_278, %gather3A_203 : vector<16xi1>, vector<16xf32>
      %reduce_max3A_349 = arith.constant true
      %reduce_max3A_350 = vector.broadcast %reduce_max3A_349 : i1 to vector<16xi1>
      %reduce_max3A_351 = tpu.scan <max>, %select_n3A_342 masked %reduce_max3A_350 : vector<16xf32>, vector<16xi1> -> vector<16xf32>
      %reduce_max3A_352 = vector.extract %reduce_max3A_351[15] : f32 from vector<16xf32>
      %eq3A_353 = vector.broadcast %reduce_max3A_352 : f32 to vector<16xf32>
      %eq3A_354 = arith.cmpf oeq, %select_n3A_342, %eq3A_353 : vector<16xf32>
      %broadcast_in_dim3A_355 = vector.broadcast %while3A_42 : f32 to vector<16xf32>
      %select_n3A_356 = arith.select %eq3A_354, %select_n3A_343, %broadcast_in_dim3A_355 : vector<16xi1>, vector<16xf32>
      %reduce_min3A_357 = arith.constant true
      %reduce_min3A_358 = vector.broadcast %reduce_min3A_357 : i1 to vector<16xi1>
      %reduce_min3A_359 = tpu.scan <min>, %select_n3A_356 masked %reduce_min3A_358 : vector<16xf32>, vector<16xi1> -> vector<16xf32>
      %reduce_min3A_360 = vector.extract %reduce_min3A_359[15] : f32 from vector<16xf32>
      %eq3A_361 = vector.broadcast %reduce_max3A_352 : f32 to vector<16xf32>
      %eq3A_362 = arith.cmpf oeq, %select_n3A_342, %eq3A_361 : vector<16xf32>
      %eq3A_363 = vector.broadcast %reduce_min3A_360 : f32 to vector<16xf32>
      %eq3A_364 = arith.cmpf oeq, %select_n3A_343, %eq3A_363 : vector<16xf32>
      %and3A_365 = arith.andi %eq3A_362, %eq3A_364 : vector<16xi1>
      %jit3A_366 = arith.constant 0.000000e+00 : f32
      %broadcast_in_dim3A_367 = vector.broadcast %jit3A_366 : f32 to vector<16xf32>
      %select_n3A_368 = arith.select %and3A_365, %select_n3A_344, %broadcast_in_dim3A_367 : vector<16xi1>, vector<16xf32>
      %reduce_sum3A_369 = arith.constant true
      %reduce_sum3A_370 = vector.broadcast %reduce_sum3A_369 : i1 to vector<16xi1>
      %reduce_sum3A_371 = tpu.scan <sum>, %select_n3A_368 masked %reduce_sum3A_370 : vector<16xf32>, vector<16xi1> -> vector<16xf32>
      %reduce_sum3A_372 = vector.extract %reduce_sum3A_371[15] : f32 from vector<16xf32>
      %jit3A_373 = arith.constant 0.000000e+00 : f32
      %broadcast_in_dim3A_374 = vector.broadcast %jit3A_373 : f32 to vector<16xf32>
      %select_n3A_375 = arith.select %and3A_365, %select_n3A_345, %broadcast_in_dim3A_374 : vector<16xi1>, vector<16xf32>
      %reduce_sum3A_376 = arith.constant true
      %reduce_sum3A_377 = vector.broadcast %reduce_sum3A_376 : i1 to vector<16xi1>
      %reduce_sum3A_378 = tpu.scan <sum>, %select_n3A_375 masked %reduce_sum3A_377 : vector<16xf32>, vector<16xi1> -> vector<16xf32>
      %reduce_sum3A_379 = vector.extract %reduce_sum3A_378[15] : f32 from vector<16xf32>
      %jit3A_380 = arith.constant 0.000000e+00 : f32
      %broadcast_in_dim3A_381 = vector.broadcast %jit3A_380 : f32 to vector<16xf32>
      %select_n3A_382 = arith.select %and3A_365, %select_n3A_346, %broadcast_in_dim3A_381 : vector<16xi1>, vector<16xf32>
      %reduce_sum3A_383 = arith.constant true
      %reduce_sum3A_384 = vector.broadcast %reduce_sum3A_383 : i1 to vector<16xi1>
      %reduce_sum3A_385 = tpu.scan <sum>, %select_n3A_382 masked %reduce_sum3A_384 : vector<16xf32>, vector<16xi1> -> vector<16xf32>
      %reduce_sum3A_386 = vector.extract %reduce_sum3A_385[15] : f32 from vector<16xf32>
      %jit3A_387 = arith.constant 0.000000e+00 : f32
      %broadcast_in_dim3A_388 = vector.broadcast %jit3A_387 : f32 to vector<16xf32>
      %select_n3A_389 = arith.select %and3A_365, %select_n3A_347, %broadcast_in_dim3A_388 : vector<16xi1>, vector<16xf32>
      %reduce_sum3A_390 = arith.constant true
      %reduce_sum3A_391 = vector.broadcast %reduce_sum3A_390 : i1 to vector<16xi1>
      %reduce_sum3A_392 = tpu.scan <sum>, %select_n3A_389 masked %reduce_sum3A_391 : vector<16xf32>, vector<16xi1> -> vector<16xf32>
      %reduce_sum3A_393 = vector.extract %reduce_sum3A_392[15] : f32 from vector<16xf32>
      %jit3A_394 = arith.constant 0.000000e+00 : f32
      %broadcast_in_dim3A_395 = vector.broadcast %jit3A_394 : f32 to vector<16xf32>
      %select_n3A_396 = arith.select %and3A_365, %select_n3A_348, %broadcast_in_dim3A_395 : vector<16xi1>, vector<16xf32>
      %reduce_sum3A_397 = arith.constant true
      %reduce_sum3A_398 = vector.broadcast %reduce_sum3A_397 : i1 to vector<16xi1>
      %reduce_sum3A_399 = tpu.scan <sum>, %select_n3A_396 masked %reduce_sum3A_398 : vector<16xf32>, vector<16xi1> -> vector<16xf32>
      %reduce_sum3A_400 = vector.extract %reduce_sum3A_399[15] : f32 from vector<16xf32>
      %sub3A_401 = arith.subf %reduce_sum3A_386, %reduce_sum3A_372 : f32
      %sub3A_402 = arith.subf %reduce_sum3A_393, %reduce_sum3A_379 : f32
      %mul3A_403 = arith.mulf %sub3A_401, %sub3A_402 : f32
      %ge3A_404 = arith.constant 0.000000e+00 : f32
      %ge3A_405 = arith.cmpf oge, %reduce_max3A_352, %ge3A_404 : f32
      %and3A_406 = arith.andi %ge3A_208, %ge3A_405 : i1
      %reduce_and3A = arith.constant 1.000000e+00 : f32
      %reduce_and3A_407 = arith.constant 0.000000e+00 : f32
      %reduce_and3A_408 = vector.broadcast %reduce_and3A : f32 to vector<16xf32>
      %reduce_and3A_409 = vector.broadcast %reduce_and3A_407 : f32 to vector<16xf32>
      %reduce_and3A_410 = arith.select %or3A_332, %reduce_and3A_408, %reduce_and3A_409 : vector<16xi1>, vector<16xf32>
      %reduce_and3A_411 = arith.constant true
      %reduce_and3A_412 = vector.broadcast %reduce_and3A_411 : i1 to vector<16xi1>
      %reduce_and3A_413 = tpu.scan <min>, %reduce_and3A_410 masked %reduce_and3A_412 : vector<16xf32>, vector<16xi1> -> vector<16xf32>
      %reduce_and3A_414 = vector.extract %reduce_and3A_413[15] : f32 from vector<16xf32>
      %reduce_and3A_415 = arith.constant 0.000000e+00 : f32
      %reduce_and3A_416 = arith.cmpf ogt, %reduce_and3A_414, %reduce_and3A_415 : f32
      %and3A_417 = arith.andi %and3A_406, %reduce_and3A_416 : i1
      %reduce_and3A_418 = arith.constant 1.000000e+00 : f32
      %reduce_and3A_419 = arith.constant 0.000000e+00 : f32
      %reduce_and3A_420 = vector.broadcast %reduce_and3A_418 : f32 to vector<16xf32>
      %reduce_and3A_421 = vector.broadcast %reduce_and3A_419 : f32 to vector<16xf32>
      %reduce_and3A_422 = arith.select %or3A_339, %reduce_and3A_420, %reduce_and3A_421 : vector<16xi1>, vector<16xf32>
      %reduce_and3A_423 = arith.constant true
      %reduce_and3A_424 = vector.broadcast %reduce_and3A_423 : i1 to vector<16xi1>
      %reduce_and3A_425 = tpu.scan <min>, %reduce_and3A_422 masked %reduce_and3A_424 : vector<16xf32>, vector<16xi1> -> vector<16xf32>
      %reduce_and3A_426 = vector.extract %reduce_and3A_425[15] : f32 from vector<16xf32>
      %reduce_and3A_427 = arith.constant 0.000000e+00 : f32
      %reduce_and3A_428 = arith.cmpf ogt, %reduce_and3A_426, %reduce_and3A_427 : f32
      %and3A_429 = arith.andi %and3A_417, %reduce_and3A_428 : i1
      %scan3A_430 = arith.constant 0 : i32
      %scan3A_431 = arith.constant 79 : i32
      %scan3A_432 = arith.addi %scan3A_430, %scan3A_431 : i32
      %scan3A_433 = arith.constant 1 : i32
      %scan3A_434:14 = scf.for %scan3A_518 = %scan3A_430 to %scan3A_432 step %scan3A_433 iter_args(%scan3A_519 = %broadcast_in_dim3A_1, %scan3A_520 = %broadcast_in_dim3A_1, %scan3A_521 = %broadcast_in_dim3A_1, %scan3A_522 = %broadcast_in_dim3A_1, %scan3A_523 = %broadcast_in_dim3A_1, %scan3A_524 = %broadcast_in_dim3A_1, %scan3A_525 = %broadcast_in_dim3A_1, %scan3A_526 = %broadcast_in_dim3A_1, %scan3A_527 = %broadcast_in_dim3A_1, %scan3A_528 = %broadcast_in_dim3A_1, %scan3A_529 = %broadcast_in_dim3A_35, %scan3A_530 = %broadcast_in_dim3A_17, %scan3A_531 = %broadcast_in_dim3A_35, %scan3A_532 = %broadcast_in_dim3A_17) -> (vector<16xf32>, vector<16xf32>, vector<16xf32>, vector<16xf32>, vector<16xf32>, vector<16xf32>, vector<16xf32>, vector<16xf32>, vector<16xf32>, vector<16xf32>, vector<16xf32>, vector<16xi32>, vector<16xf32>, vector<16xi32>)  : i32 {
        %mul3A_533 = arith.constant 16 : i32
        %mul3A_534 = arith.muli %scan3A_518, %mul3A_533 : i32
        %get3A = arith.index_cast %mul3A_534 : i32 to index
        %get3A_535 = tpu.vector_load %arg10[%get3A] {strides = array<i32>} : memref<1264xf32, #tpu.memory_space<vmem>>, vector<16xf32>,
        %get3A_536 = arith.index_cast %mul3A_534 : i32 to index
        %get3A_537 = tpu.vector_load %arg11[%get3A_536] {strides = array<i32>} : memref<1264xf32, #tpu.memory_space<vmem>>, vector<16xf32>,
        %get3A_538 = arith.index_cast %mul3A_534 : i32 to index
        %get3A_539 = tpu.vector_load %arg12[%get3A_538] {strides = array<i32>} : memref<1264xf32, #tpu.memory_space<vmem>>, vector<16xf32>,
        %get3A_540 = arith.index_cast %mul3A_534 : i32 to index
        %get3A_541 = tpu.vector_load %arg13[%get3A_540] {strides = array<i32>} : memref<1264xf32, #tpu.memory_space<vmem>>, vector<16xf32>,
        %get3A_542 = arith.index_cast %mul3A_534 : i32 to index
        %get3A_543 = tpu.vector_load %arg14[%get3A_542] {strides = array<i32>} : memref<1264xf32, #tpu.memory_space<vmem>>, vector<16xf32>,
        %get3A_544 = arith.index_cast %mul3A_534 : i32 to index
        %get3A_545 = tpu.vector_load %arg16[%get3A_544] {strides = array<i32>} : memref<1264xf32, #tpu.memory_space<vmem>>, vector<16xf32>,
        %min3A_546 = vector.broadcast %reduce_sum3A_241 : f32 to vector<16xf32>
        %min3A_547 = arith.minimumf %min3A_546, %get3A_539 : vector<16xf32>
        %max3A_548 = vector.broadcast %reduce_sum3A_227 : f32 to vector<16xf32>
        %max3A_549 = arith.maximumf %max3A_548, %get3A_535 : vector<16xf32>
        %sub3A_550 = arith.subf %min3A_547, %max3A_549 : vector<16xf32>
        %max3A_551 = arith.constant 0.000000e+00 : f32
        %max3A_552 = vector.broadcast %max3A_551 : f32 to vector<16xf32>
        %max3A_553 = arith.maximumf %sub3A_550, %max3A_552 : vector<16xf32>
        %min3A_554 = vector.broadcast %reduce_sum3A_248 : f32 to vector<16xf32>
        %min3A_555 = arith.minimumf %min3A_554, %get3A_541 : vector<16xf32>
        %max3A_556 = vector.broadcast %reduce_sum3A_234 : f32 to vector<16xf32>
        %max3A_557 = arith.maximumf %max3A_556, %get3A_537 : vector<16xf32>
        %sub3A_558 = arith.subf %min3A_555, %max3A_557 : vector<16xf32>
        %max3A_559 = arith.constant 0.000000e+00 : f32
        %max3A_560 = vector.broadcast %max3A_559 : f32 to vector<16xf32>
        %max3A_561 = arith.maximumf %sub3A_558, %max3A_560 : vector<16xf32>
        %mul3A_562 = arith.mulf %max3A_553, %max3A_561 : vector<16xf32>
        %add3A_563 = vector.broadcast %mul3A_257 : f32 to vector<16xf32>
        %add3A_564 = arith.addf %add3A_563, %get3A_545 : vector<16xf32>
        %sub3A_565 = arith.subf %add3A_564, %mul3A_562 : vector<16xf32>
        %div3A_566 = arith.divf %mul3A_562, %sub3A_565 : vector<16xf32>
        %ge3A_567 = arith.constant 0.000000e+00 : f32
        %ge3A_568 = vector.broadcast %ge3A_567 : f32 to vector<16xf32>
        %ge3A_569 = arith.cmpf oge, %get3A_543, %ge3A_568 : vector<16xf32>
        %ge3A_570 = arith.constant 6.500000e-01 : f32
        %ge3A_571 = vector.broadcast %ge3A_570 : f32 to vector<16xf32>
        %ge3A_572 = arith.cmpf oge, %div3A_566, %ge3A_571 : vector<16xf32>
        %and3A_573 = arith.andi %ge3A_572, %ge3A_569 : vector<16xi1>
        %and3A_574 = vector.broadcast %ge3A_208 : i1 to vector<16xi1>
        %and3A_575 = arith.andi %and3A_573, %and3A_574 : vector<16xi1>
        %min3A_576 = vector.broadcast %reduce_sum3A_386 : f32 to vector<16xf32>
        %min3A_577 = arith.minimumf %min3A_576, %get3A_539 : vector<16xf32>
        %max3A_578 = vector.broadcast %reduce_sum3A_372 : f32 to vector<16xf32>
        %max3A_579 = arith.maximumf %max3A_578, %get3A_535 : vector<16xf32>
        %sub3A_580 = arith.subf %min3A_577, %max3A_579 : vector<16xf32>
        %max3A_581 = arith.constant 0.000000e+00 : f32
        %max3A_582 = vector.broadcast %max3A_581 : f32 to vector<16xf32>
        %max3A_583 = arith.maximumf %sub3A_580, %max3A_582 : vector<16xf32>
        %min3A_584 = vector.broadcast %reduce_sum3A_393 : f32 to vector<16xf32>
        %min3A_585 = arith.minimumf %min3A_584, %get3A_541 : vector<16xf32>
        %max3A_586 = vector.broadcast %reduce_sum3A_379 : f32 to vector<16xf32>
        %max3A_587 = arith.maximumf %max3A_586, %get3A_537 : vector<16xf32>
        %sub3A_588 = arith.subf %min3A_585, %max3A_587 : vector<16xf32>
        %max3A_589 = arith.constant 0.000000e+00 : f32
        %max3A_590 = vector.broadcast %max3A_589 : f32 to vector<16xf32>
        %max3A_591 = arith.maximumf %sub3A_588, %max3A_590 : vector<16xf32>
        %mul3A_592 = arith.mulf %max3A_583, %max3A_591 : vector<16xf32>
        %add3A_593 = vector.broadcast %mul3A_403 : f32 to vector<16xf32>
        %add3A_594 = arith.addf %add3A_593, %get3A_545 : vector<16xf32>
        %sub3A_595 = arith.subf %add3A_594, %mul3A_592 : vector<16xf32>
        %div3A_596 = arith.divf %mul3A_592, %sub3A_595 : vector<16xf32>
        %ge3A_597 = arith.constant 6.500000e-01 : f32
        %ge3A_598 = vector.broadcast %ge3A_597 : f32 to vector<16xf32>
        %ge3A_599 = arith.cmpf oge, %div3A_596, %ge3A_598 : vector<16xf32>
        %and3A_600 = arith.andi %ge3A_599, %ge3A_569 : vector<16xi1>
        %not3A = arith.constant dense<true> : vector<16xi1>
        %not3A_601 = arith.xori %and3A_575, %not3A : vector<16xi1>
        %and3A_602 = arith.andi %and3A_600, %not3A_601 : vector<16xi1>
        %and3A_603 = vector.broadcast %and3A_429 : i1 to vector<16xi1>
        %and3A_604 = arith.andi %and3A_602, %and3A_603 : vector<16xi1>
        %jit3A_605 = arith.constant 0.000000e+00 : f32
        %broadcast_in_dim3A_606 = vector.broadcast %jit3A_605 : f32 to vector<16xf32>
        %select_n3A_607 = arith.select %and3A_575, %get3A_543, %broadcast_in_dim3A_606 : vector<16xi1>, vector<16xf32>
        %jit3A_608 = arith.constant 0.000000e+00 : f32
        %broadcast_in_dim3A_609 = vector.broadcast %jit3A_608 : f32 to vector<16xf32>
        %select_n3A_610 = arith.select %and3A_604, %get3A_543, %broadcast_in_dim3A_609 : vector<16xi1>, vector<16xf32>
        %mul3A_611 = arith.mulf %select_n3A_607, %get3A_535 : vector<16xf32>
        %add3A_612 = arith.addf %scan3A_519, %mul3A_611 : vector<16xf32>
        %mul3A_613 = arith.mulf %select_n3A_607, %get3A_537 : vector<16xf32>
        %add3A_614 = arith.addf %scan3A_520, %mul3A_613 : vector<16xf32>
        %mul3A_615 = arith.mulf %select_n3A_607, %get3A_539 : vector<16xf32>
        %add3A_616 = arith.addf %scan3A_521, %mul3A_615 : vector<16xf32>
        %mul3A_617 = arith.mulf %select_n3A_607, %get3A_541 : vector<16xf32>
        %add3A_618 = arith.addf %scan3A_522, %mul3A_617 : vector<16xf32>
        %add3A_619 = arith.addf %scan3A_523, %select_n3A_607 : vector<16xf32>
        %mul3A_620 = arith.mulf %select_n3A_610, %get3A_535 : vector<16xf32>
        %add3A_621 = arith.addf %scan3A_524, %mul3A_620 : vector<16xf32>
        %mul3A_622 = arith.mulf %select_n3A_610, %get3A_537 : vector<16xf32>
        %add3A_623 = arith.addf %scan3A_525, %mul3A_622 : vector<16xf32>
        %mul3A_624 = arith.mulf %select_n3A_610, %get3A_539 : vector<16xf32>
        %add3A_625 = arith.addf %scan3A_526, %mul3A_624 : vector<16xf32>
        %mul3A_626 = arith.mulf %select_n3A_610, %get3A_541 : vector<16xf32>
        %add3A_627 = arith.addf %scan3A_527, %mul3A_626 : vector<16xf32>
        %add3A_628 = arith.addf %scan3A_528, %select_n3A_610 : vector<16xf32>
        %or3A_629 = arith.ori %and3A_575, %and3A_604 : vector<16xi1>
        %jit3A_630 = arith.constant -1.000000e+00 : f32
        %broadcast_in_dim3A_631 = vector.broadcast %jit3A_630 : f32 to vector<16xf32>
        %select_n3A_632 = arith.select %or3A_629, %broadcast_in_dim3A_631, %get3A_543 : vector<16xi1>, vector<16xf32>
        %swap3A_633 = arith.index_cast %mul3A_534 : i32 to index
        %swap3A_634 = tpu.vector_load %arg14[%swap3A_633] {strides = array<i32>} : memref<1264xf32, #tpu.memory_space<vmem>>, vector<16xf32>,
        tpu.vector_store %arg14[%swap3A_633], %select_n3A_632 {strides = array<i32>} : memref<1264xf32, #tpu.memory_space<vmem>>, vector<16xf32>,
        %mul3A_635 = arith.constant 16 : i32
        %mul3A_636 = arith.muli %scan3A_518, %mul3A_635 : i32
        %add3A_637 = vector.broadcast %mul3A_636 : i32 to vector<16xi32>
        %add3A_638 = arith.addi %add3A_637, %iota3A : vector<16xi32>
        %gt3A = arith.cmpf ogt, %select_n3A_632, %scan3A_529 : vector<16xf32>
        %gt3A_639 = arith.cmpf ogt, %select_n3A_632, %scan3A_531 : vector<16xf32>
        %select_n3A_640 = arith.select %gt3A_639, %select_n3A_632, %scan3A_531 : vector<16xi1>, vector<16xf32>
        %select_n3A_641 = arith.select %gt3A, %scan3A_529, %select_n3A_640 : vector<16xi1>, vector<16xf32>
        %select_n3A_642 = arith.select %gt3A_639, %add3A_638, %scan3A_532 : vector<16xi1>, vector<16xi32>
        %select_n3A_643 = arith.select %gt3A, %scan3A_530, %select_n3A_642 : vector<16xi1>, vector<16xi32>
        %select_n3A_644 = arith.select %gt3A, %select_n3A_632, %scan3A_529 : vector<16xi1>, vector<16xf32>
        %select_n3A_645 = arith.select %gt3A, %add3A_638, %scan3A_530 : vector<16xi1>, vector<16xi32>
        scf.yield %add3A_612, %add3A_614, %add3A_616, %add3A_618, %add3A_619, %add3A_621, %add3A_623, %add3A_625, %add3A_627, %add3A_628, %select_n3A_644, %select_n3A_645, %select_n3A_641, %select_n3A_643 : vector<16xf32>, vector<16xf32>, vector<16xf32>, vector<16xf32>, vector<16xf32>, vector<16xf32>, vector<16xf32>, vector<16xf32>, vector<16xf32>, vector<16xf32>, vector<16xf32>, vector<16xi32>, vector<16xf32>, vector<16xi32>
      }
      %scan3A_435 = arith.constant 79 : i32
      %eq3A_436 = arith.constant 0 : i32
      %eq3A_437 = vector.broadcast %eq3A_436 : i32 to vector<16xi32>
      %eq3A_438 = arith.cmpi eq, %iota3A, %eq3A_437 : vector<16xi32>
      %reduce_sum3A_439 = arith.constant true
      %reduce_sum3A_440 = vector.broadcast %reduce_sum3A_439 : i1 to vector<16xi1>
      %reduce_sum3A_441 = tpu.scan <sum>, %scan3A_434#0 masked %reduce_sum3A_440 : vector<16xf32>, vector<16xi1> -> vector<16xf32>
      %reduce_sum3A_442 = vector.extract %reduce_sum3A_441[15] : f32 from vector<16xf32>
      %jit3A_443 = arith.constant 0.000000e+00 : f32
      %broadcast_in_dim3A_444 = vector.broadcast %reduce_sum3A_442 : f32 to vector<16xf32>
      %broadcast_in_dim3A_445 = vector.broadcast %jit3A_443 : f32 to vector<16xf32>
      %select_n3A_446 = arith.select %eq3A_438, %broadcast_in_dim3A_444, %broadcast_in_dim3A_445 : vector<16xi1>, vector<16xf32>
      %eq3A_447 = arith.constant 1 : i32
      %eq3A_448 = vector.broadcast %eq3A_447 : i32 to vector<16xi32>
      %eq3A_449 = arith.cmpi eq, %iota3A, %eq3A_448 : vector<16xi32>
      %reduce_sum3A_450 = arith.constant true
      %reduce_sum3A_451 = vector.broadcast %reduce_sum3A_450 : i1 to vector<16xi1>
      %reduce_sum3A_452 = tpu.scan <sum>, %scan3A_434#1 masked %reduce_sum3A_451 : vector<16xf32>, vector<16xi1> -> vector<16xf32>
      %reduce_sum3A_453 = vector.extract %reduce_sum3A_452[15] : f32 from vector<16xf32>
      %broadcast_in_dim3A_454 = vector.broadcast %reduce_sum3A_453 : f32 to vector<16xf32>
      %select_n3A_455 = arith.select %eq3A_449, %broadcast_in_dim3A_454, %select_n3A_446 : vector<16xi1>, vector<16xf32>
      %eq3A_456 = arith.constant 2 : i32
      %eq3A_457 = vector.broadcast %eq3A_456 : i32 to vector<16xi32>
      %eq3A_458 = arith.cmpi eq, %iota3A, %eq3A_457 : vector<16xi32>
      %reduce_sum3A_459 = arith.constant true
      %reduce_sum3A_460 = vector.broadcast %reduce_sum3A_459 : i1 to vector<16xi1>
      %reduce_sum3A_461 = tpu.scan <sum>, %scan3A_434#2 masked %reduce_sum3A_460 : vector<16xf32>, vector<16xi1> -> vector<16xf32>
      %reduce_sum3A_462 = vector.extract %reduce_sum3A_461[15] : f32 from vector<16xf32>
      %broadcast_in_dim3A_463 = vector.broadcast %reduce_sum3A_462 : f32 to vector<16xf32>
      %select_n3A_464 = arith.select %eq3A_458, %broadcast_in_dim3A_463, %select_n3A_455 : vector<16xi1>, vector<16xf32>
      %eq3A_465 = arith.constant 3 : i32
      %eq3A_466 = vector.broadcast %eq3A_465 : i32 to vector<16xi32>
      %eq3A_467 = arith.cmpi eq, %iota3A, %eq3A_466 : vector<16xi32>
      %reduce_sum3A_468 = arith.constant true
      %reduce_sum3A_469 = vector.broadcast %reduce_sum3A_468 : i1 to vector<16xi1>
      %reduce_sum3A_470 = tpu.scan <sum>, %scan3A_434#3 masked %reduce_sum3A_469 : vector<16xf32>, vector<16xi1> -> vector<16xf32>
      %reduce_sum3A_471 = vector.extract %reduce_sum3A_470[15] : f32 from vector<16xf32>
      %broadcast_in_dim3A_472 = vector.broadcast %reduce_sum3A_471 : f32 to vector<16xf32>
      %select_n3A_473 = arith.select %eq3A_467, %broadcast_in_dim3A_472, %select_n3A_464 : vector<16xi1>, vector<16xf32>
      %eq3A_474 = arith.constant 4 : i32
      %eq3A_475 = vector.broadcast %eq3A_474 : i32 to vector<16xi32>
      %eq3A_476 = arith.cmpi eq, %iota3A, %eq3A_475 : vector<16xi32>
      %reduce_sum3A_477 = arith.constant true
      %reduce_sum3A_478 = vector.broadcast %reduce_sum3A_477 : i1 to vector<16xi1>
      %reduce_sum3A_479 = tpu.scan <sum>, %scan3A_434#4 masked %reduce_sum3A_478 : vector<16xf32>, vector<16xi1> -> vector<16xf32>
      %reduce_sum3A_480 = vector.extract %reduce_sum3A_479[15] : f32 from vector<16xf32>
      %broadcast_in_dim3A_481 = vector.broadcast %reduce_sum3A_480 : f32 to vector<16xf32>
      %select_n3A_482 = arith.select %eq3A_476, %broadcast_in_dim3A_481, %select_n3A_473 : vector<16xi1>, vector<16xf32>
      %mul3A_483 = arith.constant 100 : i32
      %mul3A_484 = vector.broadcast %mul3A_483 : i32 to vector<16xi32>
      %mul3A_485 = arith.muli %iota3A, %mul3A_484 : vector<16xi32>
      %add3A_486 = vector.broadcast %while3A_53 : i32 to vector<16xi32>
      %add3A_487 = arith.addi %mul3A_485, %add3A_486 : vector<16xi32>
      tpu.vector_store_idx %arg19[%add3A_487], %select_n3A_482 : memref<1600xf32, #tpu.memory_space<vmem>>[vector<16xi32>], vector<16xf32>,
      %eq3A_488 = arith.constant 0 : i32
      %eq3A_489 = arith.cmpi eq, %arg1, %eq3A_488 : i32
      %convert_element_type3A_490 = arith.extui %eq3A_489 : i1 to i32
      %cond3A_491 = arith.constant 0 : i32
      %cond3A_492 = arith.cmpi ne, %convert_element_type3A_490, %cond3A_491 : i32
      scf.if %cond3A_492 {
        %eq3A_518 = arith.constant 0 : i32
        %eq3A_519 = vector.broadcast %eq3A_518 : i32 to vector<16xi32>
        %eq3A_520 = arith.cmpi eq, %iota3A, %eq3A_519 : vector<16xi32>
        %jit3A_521 = arith.constant 0.000000e+00 : f32
        %broadcast_in_dim3A_522 = vector.broadcast %reduce_max3A_207 : f32 to vector<16xf32>
        %broadcast_in_dim3A_523 = vector.broadcast %jit3A_521 : f32 to vector<16xf32>
        %select_n3A_524 = arith.select %eq3A_520, %broadcast_in_dim3A_522, %broadcast_in_dim3A_523 : vector<16xi1>, vector<16xf32>
        %eq3A_525 = arith.constant 1 : i32
        %eq3A_526 = vector.broadcast %eq3A_525 : i32 to vector<16xi32>
        %eq3A_527 = arith.cmpi eq, %iota3A, %eq3A_526 : vector<16xi32>
        %broadcast_in_dim3A_528 = vector.broadcast %reduce_min3A_216 : f32 to vector<16xf32>
        %select_n3A_529 = arith.select %eq3A_527, %broadcast_in_dim3A_528, %select_n3A_524 : vector<16xi1>, vector<16xf32>
        %eq3A_530 = arith.constant 2 : i32
        %eq3A_531 = vector.broadcast %eq3A_530 : i32 to vector<16xi32>
        %eq3A_532 = arith.cmpi eq, %iota3A, %eq3A_531 : vector<16xi32>
        %broadcast_in_dim3A_533 = vector.broadcast %reduce_sum3A_255 : f32 to vector<16xf32>
        %select_n3A_534 = arith.select %eq3A_532, %broadcast_in_dim3A_533, %select_n3A_529 : vector<16xi1>, vector<16xf32>
        %eq3A_535 = arith.constant 3 : i32
        %eq3A_536 = vector.broadcast %eq3A_535 : i32 to vector<16xi32>
        %eq3A_537 = arith.cmpi eq, %iota3A, %eq3A_536 : vector<16xi32>
        %jit3A_538 = arith.constant 1.000000e+00 : f32
        %jit3A_539 = arith.constant 0.000000e+00 : f32
        %select_n3A_540 = arith.select %ge3A_208, %jit3A_538, %jit3A_539 : f32
        %broadcast_in_dim3A_541 = vector.broadcast %select_n3A_540 : f32 to vector<16xf32>
        %select_n3A_542 = arith.select %eq3A_537, %broadcast_in_dim3A_541, %select_n3A_534 : vector<16xi1>, vector<16xf32>
        %eq3A_543 = arith.constant 4 : i32
        %eq3A_544 = vector.broadcast %eq3A_543 : i32 to vector<16xi32>
        %eq3A_545 = arith.cmpi eq, %iota3A, %eq3A_544 : vector<16xi32>
        %broadcast_in_dim3A_546 = vector.broadcast %add3A_22 : f32 to vector<16xf32>
        %select_n3A_547 = arith.select %eq3A_545, %broadcast_in_dim3A_546, %select_n3A_542 : vector<16xi1>, vector<16xf32>
        %mul3A_548 = arith.constant 100 : i32
        %mul3A_549 = vector.broadcast %mul3A_548 : i32 to vector<16xi32>
        %mul3A_550 = arith.muli %iota3A, %mul3A_549 : vector<16xi32>
        %add3A_551 = vector.broadcast %while3A_53 : i32 to vector<16xi32>
        %add3A_552 = arith.addi %mul3A_550, %add3A_551 : vector<16xi32>
        tpu.vector_store_idx %arg20[%add3A_552], %select_n3A_547 : memref<1600xf32, #tpu.memory_space<vmem>>[vector<16xi32>], vector<16xf32>,
      } else {
      }
      %add3A_493 = arith.constant 1 : i32
      %add3A_494 = arith.addi %while3A_53, %add3A_493 : i32
      %lt3A_495 = arith.constant 100 : i32
      %lt3A_496 = arith.cmpi slt, %add3A_494, %lt3A_495 : i32
      %and3A_497 = arith.andi %and3A_429, %lt3A_496 : i1
      %convert_element_type3A_498 = arith.extui %and3A_497 : i1 to i32
      %cond3A_499 = arith.constant 0 : i32
      %cond3A_500 = arith.cmpi ne, %convert_element_type3A_498, %cond3A_499 : i32
      scf.if %cond3A_500 {
        %eq3A_518 = arith.constant 0 : i32
        %eq3A_519 = vector.broadcast %eq3A_518 : i32 to vector<16xi32>
        %eq3A_520 = arith.cmpi eq, %iota3A, %eq3A_519 : vector<16xi32>
        %reduce_sum3A_521 = arith.constant true
        %reduce_sum3A_522 = vector.broadcast %reduce_sum3A_521 : i1 to vector<16xi1>
        %reduce_sum3A_523 = tpu.scan <sum>, %scan3A_434#5 masked %reduce_sum3A_522 : vector<16xf32>, vector<16xi1> -> vector<16xf32>
        %reduce_sum3A_524 = vector.extract %reduce_sum3A_523[15] : f32 from vector<16xf32>
        %jit3A_525 = arith.constant 0.000000e+00 : f32
        %broadcast_in_dim3A_526 = vector.broadcast %reduce_sum3A_524 : f32 to vector<16xf32>
        %broadcast_in_dim3A_527 = vector.broadcast %jit3A_525 : f32 to vector<16xf32>
        %select_n3A_528 = arith.select %eq3A_520, %broadcast_in_dim3A_526, %broadcast_in_dim3A_527 : vector<16xi1>, vector<16xf32>
        %eq3A_529 = arith.constant 1 : i32
        %eq3A_530 = vector.broadcast %eq3A_529 : i32 to vector<16xi32>
        %eq3A_531 = arith.cmpi eq, %iota3A, %eq3A_530 : vector<16xi32>
        %reduce_sum3A_532 = arith.constant true
        %reduce_sum3A_533 = vector.broadcast %reduce_sum3A_532 : i1 to vector<16xi1>
        %reduce_sum3A_534 = tpu.scan <sum>, %scan3A_434#6 masked %reduce_sum3A_533 : vector<16xf32>, vector<16xi1> -> vector<16xf32>
        %reduce_sum3A_535 = vector.extract %reduce_sum3A_534[15] : f32 from vector<16xf32>
        %broadcast_in_dim3A_536 = vector.broadcast %reduce_sum3A_535 : f32 to vector<16xf32>
        %select_n3A_537 = arith.select %eq3A_531, %broadcast_in_dim3A_536, %select_n3A_528 : vector<16xi1>, vector<16xf32>
        %eq3A_538 = arith.constant 2 : i32
        %eq3A_539 = vector.broadcast %eq3A_538 : i32 to vector<16xi32>
        %eq3A_540 = arith.cmpi eq, %iota3A, %eq3A_539 : vector<16xi32>
        %reduce_sum3A_541 = arith.constant true
        %reduce_sum3A_542 = vector.broadcast %reduce_sum3A_541 : i1 to vector<16xi1>
        %reduce_sum3A_543 = tpu.scan <sum>, %scan3A_434#7 masked %reduce_sum3A_542 : vector<16xf32>, vector<16xi1> -> vector<16xf32>
        %reduce_sum3A_544 = vector.extract %reduce_sum3A_543[15] : f32 from vector<16xf32>
        %broadcast_in_dim3A_545 = vector.broadcast %reduce_sum3A_544 : f32 to vector<16xf32>
        %select_n3A_546 = arith.select %eq3A_540, %broadcast_in_dim3A_545, %select_n3A_537 : vector<16xi1>, vector<16xf32>
        %eq3A_547 = arith.constant 3 : i32
        %eq3A_548 = vector.broadcast %eq3A_547 : i32 to vector<16xi32>
        %eq3A_549 = arith.cmpi eq, %iota3A, %eq3A_548 : vector<16xi32>
        %reduce_sum3A_550 = arith.constant true
        %reduce_sum3A_551 = vector.broadcast %reduce_sum3A_550 : i1 to vector<16xi1>
        %reduce_sum3A_552 = tpu.scan <sum>, %scan3A_434#8 masked %reduce_sum3A_551 : vector<16xf32>, vector<16xi1> -> vector<16xf32>
        %reduce_sum3A_553 = vector.extract %reduce_sum3A_552[15] : f32 from vector<16xf32>
        %broadcast_in_dim3A_554 = vector.broadcast %reduce_sum3A_553 : f32 to vector<16xf32>
        %select_n3A_555 = arith.select %eq3A_549, %broadcast_in_dim3A_554, %select_n3A_546 : vector<16xi1>, vector<16xf32>
        %eq3A_556 = arith.constant 4 : i32
        %eq3A_557 = vector.broadcast %eq3A_556 : i32 to vector<16xi32>
        %eq3A_558 = arith.cmpi eq, %iota3A, %eq3A_557 : vector<16xi32>
        %reduce_sum3A_559 = arith.constant true
        %reduce_sum3A_560 = vector.broadcast %reduce_sum3A_559 : i1 to vector<16xi1>
        %reduce_sum3A_561 = tpu.scan <sum>, %scan3A_434#9 masked %reduce_sum3A_560 : vector<16xf32>, vector<16xi1> -> vector<16xf32>
        %reduce_sum3A_562 = vector.extract %reduce_sum3A_561[15] : f32 from vector<16xf32>
        %broadcast_in_dim3A_563 = vector.broadcast %reduce_sum3A_562 : f32 to vector<16xf32>
        %select_n3A_564 = arith.select %eq3A_558, %broadcast_in_dim3A_563, %select_n3A_555 : vector<16xi1>, vector<16xf32>
        %mul3A_565 = arith.constant 100 : i32
        %mul3A_566 = vector.broadcast %mul3A_565 : i32 to vector<16xi32>
        %mul3A_567 = arith.muli %iota3A, %mul3A_566 : vector<16xi32>
        %add3A_568 = arith.constant 1 : i32
        %add3A_569 = arith.addi %while3A_53, %add3A_568 : i32
        %add3A_570 = vector.broadcast %add3A_569 : i32 to vector<16xi32>
        %add3A_571 = arith.addi %mul3A_567, %add3A_570 : vector<16xi32>
        tpu.vector_store_idx %arg19[%add3A_571], %select_n3A_564 : memref<1600xf32, #tpu.memory_space<vmem>>[vector<16xi32>], vector<16xf32>,
      } else {
      }
      %eq3A_501 = arith.constant 0 : i32
      %eq3A_502 = arith.cmpi eq, %arg1, %eq3A_501 : i32
      %and3A_503 = arith.andi %eq3A_502, %and3A_429 : i1
      %add3A_504 = arith.constant 1 : i32
      %add3A_505 = arith.addi %while3A_53, %add3A_504 : i32
      %lt3A_506 = arith.constant 100 : i32
      %lt3A_507 = arith.cmpi slt, %add3A_505, %lt3A_506 : i32
      %and3A_508 = arith.andi %and3A_503, %lt3A_507 : i1
      %convert_element_type3A_509 = arith.extui %and3A_508 : i1 to i32
      %cond3A_510 = arith.constant 0 : i32
      %cond3A_511 = arith.cmpi ne, %convert_element_type3A_509, %cond3A_510 : i32
      scf.if %cond3A_511 {
        %eq3A_518 = arith.constant 0 : i32
        %eq3A_519 = vector.broadcast %eq3A_518 : i32 to vector<16xi32>
        %eq3A_520 = arith.cmpi eq, %iota3A, %eq3A_519 : vector<16xi32>
        %jit3A_521 = arith.constant 0.000000e+00 : f32
        %broadcast_in_dim3A_522 = vector.broadcast %reduce_max3A_352 : f32 to vector<16xf32>
        %broadcast_in_dim3A_523 = vector.broadcast %jit3A_521 : f32 to vector<16xf32>
        %select_n3A_524 = arith.select %eq3A_520, %broadcast_in_dim3A_522, %broadcast_in_dim3A_523 : vector<16xi1>, vector<16xf32>
        %eq3A_525 = arith.constant 1 : i32
        %eq3A_526 = vector.broadcast %eq3A_525 : i32 to vector<16xi32>
        %eq3A_527 = arith.cmpi eq, %iota3A, %eq3A_526 : vector<16xi32>
        %broadcast_in_dim3A_528 = vector.broadcast %reduce_min3A_360 : f32 to vector<16xf32>
        %select_n3A_529 = arith.select %eq3A_527, %broadcast_in_dim3A_528, %select_n3A_524 : vector<16xi1>, vector<16xf32>
        %eq3A_530 = arith.constant 2 : i32
        %eq3A_531 = vector.broadcast %eq3A_530 : i32 to vector<16xi32>
        %eq3A_532 = arith.cmpi eq, %iota3A, %eq3A_531 : vector<16xi32>
        %broadcast_in_dim3A_533 = vector.broadcast %reduce_sum3A_400 : f32 to vector<16xf32>
        %select_n3A_534 = arith.select %eq3A_532, %broadcast_in_dim3A_533, %select_n3A_529 : vector<16xi1>, vector<16xf32>
        %eq3A_535 = arith.constant 3 : i32
        %eq3A_536 = vector.broadcast %eq3A_535 : i32 to vector<16xi32>
        %eq3A_537 = arith.cmpi eq, %iota3A, %eq3A_536 : vector<16xi32>
        %jit3A_538 = arith.constant 1.000000e+00 : f32
        %broadcast_in_dim3A_539 = vector.broadcast %jit3A_538 : f32 to vector<16xf32>
        %select_n3A_540 = arith.select %eq3A_537, %broadcast_in_dim3A_539, %select_n3A_534 : vector<16xi1>, vector<16xf32>
        %eq3A_541 = arith.constant 4 : i32
        %eq3A_542 = vector.broadcast %eq3A_541 : i32 to vector<16xi32>
        %eq3A_543 = arith.cmpi eq, %iota3A, %eq3A_542 : vector<16xi32>
        %broadcast_in_dim3A_544 = vector.broadcast %add3A_22 : f32 to vector<16xf32>
        %select_n3A_545 = arith.select %eq3A_543, %broadcast_in_dim3A_544, %select_n3A_540 : vector<16xi1>, vector<16xf32>
        %mul3A_546 = arith.constant 100 : i32
        %mul3A_547 = vector.broadcast %mul3A_546 : i32 to vector<16xi32>
        %mul3A_548 = arith.muli %iota3A, %mul3A_547 : vector<16xi32>
        %add3A_549 = arith.constant 1 : i32
        %add3A_550 = arith.addi %while3A_53, %add3A_549 : i32
        %add3A_551 = vector.broadcast %add3A_550 : i32 to vector<16xi32>
        %add3A_552 = arith.addi %mul3A_548, %add3A_551 : vector<16xi32>
        tpu.vector_store_idx %arg20[%add3A_552], %select_n3A_545 : memref<1600xf32, #tpu.memory_space<vmem>>[vector<16xi32>], vector<16xf32>,
      } else {
      }
      %jit3A_512 = arith.constant 2 : i32
      %jit3A_513 = arith.constant 1 : i32
      %select_n3A_514 = arith.select %and3A_429, %jit3A_512, %jit3A_513 : i32
      %add3A_515 = arith.addi %while3A_53, %select_n3A_514 : i32
      %add3A_516 = arith.constant 1 : i32
      %add3A_517 = arith.addi %while3A_54, %add3A_516 : i32
      scf.yield %add3A_515, %add3A_517, %scan3A_434#10, %scan3A_434#11, %scan3A_434#12, %scan3A_434#13 : i32, i32, vector<16xf32>, vector<16xi32>, vector<16xf32>, vector<16xi32>
    }
    %mul3A_46 = arith.constant 16 : i32
    %mul3A_47 = arith.muli %arg0, %mul3A_46 : i32
    %add3A_48 = arith.addi %mul3A_47, %arg1 : i32
    "tpu.region"() ({
      %run_scoped3A_53 = tpu.sem_alloc : memref<!tpu.dma_semaphore, #tpu.memory_space<semaphore_mem>>
      %dma_start3A = arith.constant 0 : i32
      %dma_start3A_54 = tpu.memref_slice %arg8[%add3A_48, %dma_start3A] : memref<32x1600xf32, #tpu.memory_space<hbm>> -> memref<1x1600xf32, #tpu.memory_space<hbm>>
      %dma_start3A_55 = tpu.memref_squeeze %dma_start3A_54 : memref<1x1600xf32, #tpu.memory_space<hbm>> -> memref<1600xf32, #tpu.memory_space<hbm>>
      %dma_start3A_56 = arith.constant 0 : i32
      %dma_start3A_57 = tpu.memref_slice %arg8[%add3A_48, %dma_start3A_56] : memref<32x1600xf32, #tpu.memory_space<hbm>> -> memref<1x1600xf32, #tpu.memory_space<hbm>>
      %dma_start3A_58 = tpu.memref_squeeze %dma_start3A_57 : memref<1x1600xf32, #tpu.memory_space<hbm>> -> memref<1600xf32, #tpu.memory_space<hbm>>
      tpu.enqueue_dma source(%arg19 : memref<1600xf32, #tpu.memory_space<vmem>>) target(%dma_start3A_58 : memref<1600xf32, #tpu.memory_space<hbm>>) target_semaphore(%run_scoped3A_53 : memref<!tpu.dma_semaphore, #tpu.memory_space<semaphore_mem>>)
      %dma_wait3A = arith.constant 0 : i32
      %dma_wait3A_59 = tpu.memref_slice %arg8[%add3A_48, %dma_wait3A] : memref<32x1600xf32, #tpu.memory_space<hbm>> -> memref<1x1600xf32, #tpu.memory_space<hbm>>
      %dma_wait3A_60 = tpu.memref_squeeze %dma_wait3A_59 : memref<1x1600xf32, #tpu.memory_space<hbm>> -> memref<1600xf32, #tpu.memory_space<hbm>>
      %dma_wait3A_61 = arith.constant 0 : i32
      %dma_wait3A_62 = tpu.memref_slice %arg8[%add3A_48, %dma_wait3A_61] : memref<32x1600xf32, #tpu.memory_space<hbm>> -> memref<1x1600xf32, #tpu.memory_space<hbm>>
      %dma_wait3A_63 = tpu.memref_squeeze %dma_wait3A_62 : memref<1x1600xf32, #tpu.memory_space<hbm>> -> memref<1600xf32, #tpu.memory_space<hbm>>
      tpu.wait_dma2 semaphore(%run_scoped3A_53 : memref<!tpu.dma_semaphore, #tpu.memory_space<semaphore_mem>>) src(%arg19 : memref<1600xf32, #tpu.memory_space<vmem>>) dst(%dma_wait3A_63 : memref<1600xf32, #tpu.memory_space<hbm>>)
      tpu.yield
    }) : () -> ()
    %eq3A_49 = arith.constant 0 : i32
    %eq3A_50 = arith.cmpi eq, %arg1, %eq3A_49 : i32
    %convert_element_type3A_51 = arith.extui %eq3A_50 : i1 to i32
    %cond3A = arith.constant 0 : i32
    %cond3A_52 = arith.cmpi ne, %convert_element_type3A_51, %cond3A : i32
    scf.if %cond3A_52 {
      "tpu.region"() ({
        %run_scoped3A_53 = tpu.sem_alloc : memref<!tpu.dma_semaphore, #tpu.memory_space<semaphore_mem>>
        %dma_start3A = arith.constant 0 : i32
        %dma_start3A_54 = tpu.memref_slice %arg9[%arg0, %dma_start3A] : memref<2x1600xf32, #tpu.memory_space<hbm>> -> memref<1x1600xf32, #tpu.memory_space<hbm>>
        %dma_start3A_55 = tpu.memref_squeeze %dma_start3A_54 : memref<1x1600xf32, #tpu.memory_space<hbm>> -> memref<1600xf32, #tpu.memory_space<hbm>>
        %dma_start3A_56 = arith.constant 0 : i32
        %dma_start3A_57 = tpu.memref_slice %arg9[%arg0, %dma_start3A_56] : memref<2x1600xf32, #tpu.memory_space<hbm>> -> memref<1x1600xf32, #tpu.memory_space<hbm>>
        %dma_start3A_58 = tpu.memref_squeeze %dma_start3A_57 : memref<1x1600xf32, #tpu.memory_space<hbm>> -> memref<1600xf32, #tpu.memory_space<hbm>>
        tpu.enqueue_dma source(%arg20 : memref<1600xf32, #tpu.memory_space<vmem>>) target(%dma_start3A_58 : memref<1600xf32, #tpu.memory_space<hbm>>) target_semaphore(%run_scoped3A_53 : memref<!tpu.dma_semaphore, #tpu.memory_space<semaphore_mem>>)
        %dma_wait3A = arith.constant 0 : i32
        %dma_wait3A_59 = tpu.memref_slice %arg9[%arg0, %dma_wait3A] : memref<2x1600xf32, #tpu.memory_space<hbm>> -> memref<1x1600xf32, #tpu.memory_space<hbm>>
        %dma_wait3A_60 = tpu.memref_squeeze %dma_wait3A_59 : memref<1x1600xf32, #tpu.memory_space<hbm>> -> memref<1600xf32, #tpu.memory_space<hbm>>
        %dma_wait3A_61 = arith.constant 0 : i32
        %dma_wait3A_62 = tpu.memref_slice %arg9[%arg0, %dma_wait3A_61] : memref<2x1600xf32, #tpu.memory_space<hbm>> -> memref<1x1600xf32, #tpu.memory_space<hbm>>
        %dma_wait3A_63 = tpu.memref_squeeze %dma_wait3A_62 : memref<1x1600xf32, #tpu.memory_space<hbm>> -> memref<1600xf32, #tpu.memory_space<hbm>>
        tpu.wait_dma2 semaphore(%run_scoped3A_53 : memref<!tpu.dma_semaphore, #tpu.memory_space<semaphore_mem>>) src(%arg20 : memref<1600xf32, #tpu.memory_space<vmem>>) dst(%dma_wait3A_63 : memref<1600xf32, #tpu.memory_space<hbm>>)
        tpu.yield
      }) : () -> ()
    } else {
    }
    return
  }
}

module attributes {stable_mosaic.version = 14 : i64} {
  func.func @_merge_body(%arg0: memref<32x1600xf32, #tpu.memory_space<vmem>>, %arg1: memref<2x1600xf32, #tpu.memory_space<vmem>>, %arg2: memref<8x128xf32, #tpu.memory_space<vmem>>) attributes {dimension_semantics = [], scalar_prefetch = 0 : i64, scratch_operands = 0 : i64, tpu.core_type = #tpu.core_type<tc>} {
    %get3A = arith.constant 0 : index
    %get3A_0 = arith.constant 0 : index
    %get3A_1 = vector.load %arg0[%get3A, %get3A_0] : memref<32x1600xf32, #tpu.memory_space<vmem>>, vector<32x1600xf32>
    %slice3A = vector.extract_strided_slice %get3A_1 {offsets = [0, 0], sizes = [16, 1600], strides = [1, 1]} : vector<32x1600xf32> to vector<16x1600xf32>
    %reduce_sum3A = arith.constant dense<0.000000e+00> : vector<1600xf32>
    %reduce_sum3A_2 = vector.multi_reduction <add>, %slice3A, %reduce_sum3A [0] : vector<16x1600xf32> to vector<1600xf32>
    %broadcast_in_dim3A = vector.shape_cast %reduce_sum3A_2 : vector<1600xf32> to vector<1x1600xf32>
    %slice3A_3 = vector.extract_strided_slice %get3A_1 {offsets = [16, 0], sizes = [16, 1600], strides = [1, 1]} : vector<32x1600xf32> to vector<16x1600xf32>
    %reduce_sum3A_4 = arith.constant dense<0.000000e+00> : vector<1600xf32>
    %reduce_sum3A_5 = vector.multi_reduction <add>, %slice3A_3, %reduce_sum3A_4 [0] : vector<16x1600xf32> to vector<1600xf32>
    %broadcast_in_dim3A_6 = vector.shape_cast %reduce_sum3A_5 : vector<1600xf32> to vector<1x1600xf32>
    %concatenate3A = tpu.concatenate %broadcast_in_dim3A, %broadcast_in_dim3A_6 in 0 : vector<1x1600xf32>, vector<1x1600xf32> -> vector<2x1600xf32>
    %get3A_7 = arith.constant 0 : index
    %get3A_8 = arith.constant 0 : index
    %get3A_9 = vector.load %arg1[%get3A_7, %get3A_8] : memref<2x1600xf32, #tpu.memory_space<vmem>>, vector<2x1600xf32>
    %slice3A_10 = vector.extract_strided_slice %get3A_9 {offsets = [0, 0], sizes = [2, 100], strides = [1, 1]} : vector<2x1600xf32> to vector<2x100xf32>
    %slice3A_11 = vector.extract_strided_slice %get3A_9 {offsets = [0, 100], sizes = [2, 100], strides = [1, 1]} : vector<2x1600xf32> to vector<2x100xf32>
    %slice3A_12 = vector.extract_strided_slice %get3A_9 {offsets = [0, 200], sizes = [2, 100], strides = [1, 1]} : vector<2x1600xf32> to vector<2x100xf32>
    %slice3A_13 = vector.extract_strided_slice %get3A_9 {offsets = [0, 300], sizes = [2, 100], strides = [1, 1]} : vector<2x1600xf32> to vector<2x100xf32>
    %slice3A_14 = vector.extract_strided_slice %get3A_9 {offsets = [0, 400], sizes = [2, 100], strides = [1, 1]} : vector<2x1600xf32> to vector<2x100xf32>
    %reduce_max3A = vector.shape_cast %slice3A_14 : vector<2x100xf32> to vector<1x2x100xf32>
    %reduce_max3A_15 = arith.constant dense<0xFF800000> : vector<1xf32>
    %reduce_max3A_16 = vector.multi_reduction <maximumf>, %reduce_max3A, %reduce_max3A_15 [1, 2] : vector<1x2x100xf32> to vector<1xf32>
    %reduce_max3A_17 = vector.shape_cast %reduce_max3A_16 : vector<1xf32> to vector<1x1x1xf32>
    %reduce_max3A_18 = vector.extract %reduce_max3A_17[0, 0, 0] : f32 from vector<1x1x1xf32>
    %iota3A = tpu.iota {dimensions = array<i32: 0>} : vector<2x100xi32>
    %iota3A_19 = tpu.iota {dimensions = array<i32: 1>} : vector<2x100xi32>
    %iota3A_20 = tpu.iota {dimensions = array<i32: 1>} : vector<1x128xi32>
    %broadcast_in_dim3A_21 = arith.constant 0.000000e+00 : f32
    %broadcast_in_dim3A_22 = vector.broadcast %broadcast_in_dim3A_21 : f32 to vector<1x128xf32>
    %scan3A = arith.constant 1.000000e+09 : f32
    %scan3A_23 = arith.constant 1000000000 : i32
    %scan3A_24 = arith.constant 0 : i32
    %scan3A_25 = arith.constant 100 : i32
    %scan3A_26 = arith.addi %scan3A_24, %scan3A_25 : i32
    %scan3A_27 = arith.constant 1 : i32
    %scan3A_28:7 = scf.for %scan3A_33 = %scan3A_24 to %scan3A_26 step %scan3A_27 iter_args(%scan3A_34 = %slice3A_13, %scan3A_35 = %broadcast_in_dim3A_22, %scan3A_36 = %broadcast_in_dim3A_22, %scan3A_37 = %broadcast_in_dim3A_22, %scan3A_38 = %broadcast_in_dim3A_22, %scan3A_39 = %broadcast_in_dim3A_22, %scan3A_40 = %broadcast_in_dim3A_22) -> (vector<2x100xf32>, vector<1x128xf32>, vector<1x128xf32>, vector<1x128xf32>, vector<1x128xf32>, vector<1x128xf32>, vector<1x128xf32>)  : i32 {
      %gt3A = arith.constant 0.000000e+00 : f32
      %gt3A_41 = vector.broadcast %gt3A : f32 to vector<2x100xf32>
      %gt3A_42 = arith.cmpf ogt, %scan3A_34, %gt3A_41 : vector<2x100xf32>
      %jit3A = arith.constant -1.000000e+00 : f32
      %broadcast_in_dim3A_43 = vector.broadcast %jit3A : f32 to vector<2x100xf32>
      %select_n3A = arith.select %gt3A_42, %slice3A_10, %broadcast_in_dim3A_43 : vector<2x100xi1>, vector<2x100xf32>
      %reduce_max3A_44 = vector.shape_cast %select_n3A : vector<2x100xf32> to vector<1x2x100xf32>
      %reduce_max3A_45 = arith.constant dense<0xFF800000> : vector<1xf32>
      %reduce_max3A_46 = vector.multi_reduction <maximumf>, %reduce_max3A_44, %reduce_max3A_45 [1, 2] : vector<1x2x100xf32> to vector<1xf32>
      %reduce_max3A_47 = vector.shape_cast %reduce_max3A_46 : vector<1xf32> to vector<1x1x1xf32>
      %reduce_max3A_48 = vector.extract %reduce_max3A_47[0, 0, 0] : f32 from vector<1x1x1xf32>
      %ge3A = arith.constant 0.000000e+00 : f32
      %ge3A_49 = arith.cmpf oge, %reduce_max3A_48, %ge3A : f32
      %eq3A = vector.broadcast %reduce_max3A_48 : f32 to vector<2x100xf32>
      %eq3A_50 = arith.cmpf oeq, %select_n3A, %eq3A : vector<2x100xf32>
      %gt3A_51 = arith.constant 0.000000e+00 : f32
      %gt3A_52 = vector.broadcast %gt3A_51 : f32 to vector<2x100xf32>
      %gt3A_53 = arith.cmpf ogt, %scan3A_34, %gt3A_52 : vector<2x100xf32>
      %and3A = arith.andi %eq3A_50, %gt3A_53 : vector<2x100xi1>
      %broadcast_in_dim3A_54 = vector.broadcast %scan3A : f32 to vector<2x100xf32>
      %select_n3A_55 = arith.select %and3A, %slice3A_11, %broadcast_in_dim3A_54 : vector<2x100xi1>, vector<2x100xf32>
      %reduce_min3A = vector.shape_cast %select_n3A_55 : vector<2x100xf32> to vector<1x2x100xf32>
      %reduce_min3A_56 = arith.constant dense<0x7F800000> : vector<1xf32>
      %reduce_min3A_57 = vector.multi_reduction <minimumf>, %reduce_min3A, %reduce_min3A_56 [1, 2] : vector<1x2x100xf32> to vector<1xf32>
      %reduce_min3A_58 = vector.shape_cast %reduce_min3A_57 : vector<1xf32> to vector<1x1x1xf32>
      %reduce_min3A_59 = vector.extract %reduce_min3A_58[0, 0, 0] : f32 from vector<1x1x1xf32>
      %eq3A_60 = vector.broadcast %reduce_max3A_48 : f32 to vector<2x100xf32>
      %eq3A_61 = arith.cmpf oeq, %select_n3A, %eq3A_60 : vector<2x100xf32>
      %eq3A_62 = vector.broadcast %reduce_min3A_59 : f32 to vector<2x100xf32>
      %eq3A_63 = arith.cmpf oeq, %slice3A_11, %eq3A_62 : vector<2x100xf32>
      %and3A_64 = arith.andi %eq3A_61, %eq3A_63 : vector<2x100xi1>
      %gt3A_65 = arith.constant 0.000000e+00 : f32
      %gt3A_66 = vector.broadcast %gt3A_65 : f32 to vector<2x100xf32>
      %gt3A_67 = arith.cmpf ogt, %scan3A_34, %gt3A_66 : vector<2x100xf32>
      %and3A_68 = arith.andi %and3A_64, %gt3A_67 : vector<2x100xi1>
      %broadcast_in_dim3A_69 = vector.broadcast %scan3A_23 : i32 to vector<2x100xi32>
      %select_n3A_70 = arith.select %and3A_68, %iota3A, %broadcast_in_dim3A_69 : vector<2x100xi1>, vector<2x100xi32>
      %reduce_min3A_71 = vector.shape_cast %select_n3A_70 : vector<2x100xi32> to vector<1x2x100xi32>
      %reduce_min3A_72 = arith.constant dense<2147483647> : vector<1xi32>
      %reduce_min3A_73 = vector.multi_reduction <minsi>, %reduce_min3A_71, %reduce_min3A_72 [1, 2] : vector<1x2x100xi32> to vector<1xi32>
      %reduce_min3A_74 = vector.shape_cast %reduce_min3A_73 : vector<1xi32> to vector<1x1x1xi32>
      %reduce_min3A_75 = vector.extract %reduce_min3A_74[0, 0, 0] : i32 from vector<1x1x1xi32>
      %broadcast_in_dim3A_76 = vector.broadcast %scan3A_23 : i32 to vector<2x100xi32>
      %select_n3A_77 = arith.select %and3A_68, %iota3A_19, %broadcast_in_dim3A_76 : vector<2x100xi1>, vector<2x100xi32>
      %reduce_min3A_78 = vector.shape_cast %select_n3A_77 : vector<2x100xi32> to vector<1x2x100xi32>
      %reduce_min3A_79 = arith.constant dense<2147483647> : vector<1xi32>
      %reduce_min3A_80 = vector.multi_reduction <minsi>, %reduce_min3A_78, %reduce_min3A_79 [1, 2] : vector<1x2x100xi32> to vector<1xi32>
      %reduce_min3A_81 = vector.shape_cast %reduce_min3A_80 : vector<1xi32> to vector<1x1x1xi32>
      %reduce_min3A_82 = vector.extract %reduce_min3A_81[0, 0, 0] : i32 from vector<1x1x1xi32>
      %jit3A_83 = arith.constant 0.000000e+00 : f32
      %broadcast_in_dim3A_84 = vector.broadcast %jit3A_83 : f32 to vector<2x100xf32>
      %select_n3A_85 = arith.select %and3A_68, %slice3A_12, %broadcast_in_dim3A_84 : vector<2x100xi1>, vector<2x100xf32>
      %reduce_sum3A_86 = vector.shape_cast %select_n3A_85 : vector<2x100xf32> to vector<1x2x100xf32>
      %reduce_sum3A_87 = arith.constant dense<0.000000e+00> : vector<1xf32>
      %reduce_sum3A_88 = vector.multi_reduction <add>, %reduce_sum3A_86, %reduce_sum3A_87 [1, 2] : vector<1x2x100xf32> to vector<1xf32>
      %reduce_sum3A_89 = vector.shape_cast %reduce_sum3A_88 : vector<1xf32> to vector<1x1x1xf32>
      %reduce_sum3A_90 = vector.extract %reduce_sum3A_89[0, 0, 0] : f32 from vector<1x1x1xf32>
      %eq3A_91 = vector.broadcast %reduce_min3A_75 : i32 to vector<2x100xi32>
      %eq3A_92 = arith.cmpi eq, %iota3A, %eq3A_91 : vector<2x100xi32>
      %eq3A_93 = vector.broadcast %reduce_min3A_82 : i32 to vector<2x100xi32>
      %eq3A_94 = arith.cmpi eq, %iota3A_19, %eq3A_93 : vector<2x100xi32>
      %and3A_95 = arith.andi %eq3A_92, %eq3A_94 : vector<2x100xi1>
      %slice3A_96 = vector.extract_strided_slice %concatenate3A {offsets = [0, 400], sizes = [2, 100], strides = [1, 1]} : vector<2x1600xf32> to vector<2x100xf32>
      %jit3A_97 = arith.constant 0.000000e+00 : f32
      %broadcast_in_dim3A_98 = vector.broadcast %jit3A_97 : f32 to vector<2x100xf32>
      %select_n3A_99 = arith.select %and3A_95, %slice3A_96, %broadcast_in_dim3A_98 : vector<2x100xi1>, vector<2x100xf32>
      %reduce_sum3A_100 = vector.shape_cast %select_n3A_99 : vector<2x100xf32> to vector<1x2x100xf32>
      %reduce_sum3A_101 = arith.constant dense<0.000000e+00> : vector<1xf32>
      %reduce_sum3A_102 = vector.multi_reduction <add>, %reduce_sum3A_100, %reduce_sum3A_101 [1, 2] : vector<1x2x100xf32> to vector<1xf32>
      %reduce_sum3A_103 = vector.shape_cast %reduce_sum3A_102 : vector<1xf32> to vector<1x1x1xf32>
      %reduce_sum3A_104 = vector.extract %reduce_sum3A_103[0, 0, 0] : f32 from vector<1x1x1xf32>
      %jit3A_105 = arith.constant 1.000000e+00 : f32
      %select_n3A_106 = arith.select %ge3A_49, %reduce_sum3A_104, %jit3A_105 : f32
      %mul3A = arith.mulf %reduce_sum3A_90, %reduce_max3A_18 : f32
      %eq3A_107 = vector.broadcast %scan3A_33 : i32 to vector<1x128xi32>
      %eq3A_108 = arith.cmpi eq, %iota3A_20, %eq3A_107 : vector<1x128xi32>
      %eq3A_109 = vector.broadcast %reduce_min3A_75 : i32 to vector<2x100xi32>
      %eq3A_110 = arith.cmpi eq, %iota3A, %eq3A_109 : vector<2x100xi32>
      %eq3A_111 = vector.broadcast %reduce_min3A_82 : i32 to vector<2x100xi32>
      %eq3A_112 = arith.cmpi eq, %iota3A_19, %eq3A_111 : vector<2x100xi32>
      %and3A_113 = arith.andi %eq3A_110, %eq3A_112 : vector<2x100xi1>
      %slice3A_114 = vector.extract_strided_slice %concatenate3A {offsets = [0, 0], sizes = [2, 100], strides = [1, 1]} : vector<2x1600xf32> to vector<2x100xf32>
      %jit3A_115 = arith.constant 0.000000e+00 : f32
      %broadcast_in_dim3A_116 = vector.broadcast %jit3A_115 : f32 to vector<2x100xf32>
      %select_n3A_117 = arith.select %and3A_113, %slice3A_114, %broadcast_in_dim3A_116 : vector<2x100xi1>, vector<2x100xf32>
      %reduce_sum3A_118 = vector.shape_cast %select_n3A_117 : vector<2x100xf32> to vector<1x2x100xf32>
      %reduce_sum3A_119 = arith.constant dense<0.000000e+00> : vector<1xf32>
      %reduce_sum3A_120 = vector.multi_reduction <add>, %reduce_sum3A_118, %reduce_sum3A_119 [1, 2] : vector<1x2x100xf32> to vector<1xf32>
      %reduce_sum3A_121 = vector.shape_cast %reduce_sum3A_120 : vector<1xf32> to vector<1x1x1xf32>
      %reduce_sum3A_122 = vector.extract %reduce_sum3A_121[0, 0, 0] : f32 from vector<1x1x1xf32>
      %div3A = arith.divf %reduce_sum3A_122, %select_n3A_106 : f32
      %sub3A = arith.subf %div3A, %mul3A : f32
      %jit3A_123 = arith.constant 0.000000e+00 : f32
      %select_n3A_124 = arith.select %ge3A_49, %sub3A, %jit3A_123 : f32
      %broadcast_in_dim3A_125 = vector.broadcast %select_n3A_124 : f32 to vector<1x128xf32>
      %select_n3A_126 = arith.select %eq3A_108, %broadcast_in_dim3A_125, %scan3A_35 : vector<1x128xi1>, vector<1x128xf32>
      %eq3A_127 = vector.broadcast %reduce_min3A_75 : i32 to vector<2x100xi32>
      %eq3A_128 = arith.cmpi eq, %iota3A, %eq3A_127 : vector<2x100xi32>
      %eq3A_129 = vector.broadcast %reduce_min3A_82 : i32 to vector<2x100xi32>
      %eq3A_130 = arith.cmpi eq, %iota3A_19, %eq3A_129 : vector<2x100xi32>
      %and3A_131 = arith.andi %eq3A_128, %eq3A_130 : vector<2x100xi1>
      %slice3A_132 = vector.extract_strided_slice %concatenate3A {offsets = [0, 100], sizes = [2, 100], strides = [1, 1]} : vector<2x1600xf32> to vector<2x100xf32>
      %jit3A_133 = arith.constant 0.000000e+00 : f32
      %broadcast_in_dim3A_134 = vector.broadcast %jit3A_133 : f32 to vector<2x100xf32>
      %select_n3A_135 = arith.select %and3A_131, %slice3A_132, %broadcast_in_dim3A_134 : vector<2x100xi1>, vector<2x100xf32>
      %reduce_sum3A_136 = vector.shape_cast %select_n3A_135 : vector<2x100xf32> to vector<1x2x100xf32>
      %reduce_sum3A_137 = arith.constant dense<0.000000e+00> : vector<1xf32>
      %reduce_sum3A_138 = vector.multi_reduction <add>, %reduce_sum3A_136, %reduce_sum3A_137 [1, 2] : vector<1x2x100xf32> to vector<1xf32>
      %reduce_sum3A_139 = vector.shape_cast %reduce_sum3A_138 : vector<1xf32> to vector<1x1x1xf32>
      %reduce_sum3A_140 = vector.extract %reduce_sum3A_139[0, 0, 0] : f32 from vector<1x1x1xf32>
      %div3A_141 = arith.divf %reduce_sum3A_140, %select_n3A_106 : f32
      %sub3A_142 = arith.subf %div3A_141, %mul3A : f32
      %jit3A_143 = arith.constant 0.000000e+00 : f32
      %select_n3A_144 = arith.select %ge3A_49, %sub3A_142, %jit3A_143 : f32
      %broadcast_in_dim3A_145 = vector.broadcast %select_n3A_144 : f32 to vector<1x128xf32>
      %select_n3A_146 = arith.select %eq3A_108, %broadcast_in_dim3A_145, %scan3A_36 : vector<1x128xi1>, vector<1x128xf32>
      %eq3A_147 = vector.broadcast %reduce_min3A_75 : i32 to vector<2x100xi32>
      %eq3A_148 = arith.cmpi eq, %iota3A, %eq3A_147 : vector<2x100xi32>
      %eq3A_149 = vector.broadcast %reduce_min3A_82 : i32 to vector<2x100xi32>
      %eq3A_150 = arith.cmpi eq, %iota3A_19, %eq3A_149 : vector<2x100xi32>
      %and3A_151 = arith.andi %eq3A_148, %eq3A_150 : vector<2x100xi1>
      %slice3A_152 = vector.extract_strided_slice %concatenate3A {offsets = [0, 200], sizes = [2, 100], strides = [1, 1]} : vector<2x1600xf32> to vector<2x100xf32>
      %jit3A_153 = arith.constant 0.000000e+00 : f32
      %broadcast_in_dim3A_154 = vector.broadcast %jit3A_153 : f32 to vector<2x100xf32>
      %select_n3A_155 = arith.select %and3A_151, %slice3A_152, %broadcast_in_dim3A_154 : vector<2x100xi1>, vector<2x100xf32>
      %reduce_sum3A_156 = vector.shape_cast %select_n3A_155 : vector<2x100xf32> to vector<1x2x100xf32>
      %reduce_sum3A_157 = arith.constant dense<0.000000e+00> : vector<1xf32>
      %reduce_sum3A_158 = vector.multi_reduction <add>, %reduce_sum3A_156, %reduce_sum3A_157 [1, 2] : vector<1x2x100xf32> to vector<1xf32>
      %reduce_sum3A_159 = vector.shape_cast %reduce_sum3A_158 : vector<1xf32> to vector<1x1x1xf32>
      %reduce_sum3A_160 = vector.extract %reduce_sum3A_159[0, 0, 0] : f32 from vector<1x1x1xf32>
      %div3A_161 = arith.divf %reduce_sum3A_160, %select_n3A_106 : f32
      %sub3A_162 = arith.subf %div3A_161, %mul3A : f32
      %jit3A_163 = arith.constant 0.000000e+00 : f32
      %select_n3A_164 = arith.select %ge3A_49, %sub3A_162, %jit3A_163 : f32
      %broadcast_in_dim3A_165 = vector.broadcast %select_n3A_164 : f32 to vector<1x128xf32>
      %select_n3A_166 = arith.select %eq3A_108, %broadcast_in_dim3A_165, %scan3A_37 : vector<1x128xi1>, vector<1x128xf32>
      %eq3A_167 = vector.broadcast %reduce_min3A_75 : i32 to vector<2x100xi32>
      %eq3A_168 = arith.cmpi eq, %iota3A, %eq3A_167 : vector<2x100xi32>
      %eq3A_169 = vector.broadcast %reduce_min3A_82 : i32 to vector<2x100xi32>
      %eq3A_170 = arith.cmpi eq, %iota3A_19, %eq3A_169 : vector<2x100xi32>
      %and3A_171 = arith.andi %eq3A_168, %eq3A_170 : vector<2x100xi1>
      %slice3A_172 = vector.extract_strided_slice %concatenate3A {offsets = [0, 300], sizes = [2, 100], strides = [1, 1]} : vector<2x1600xf32> to vector<2x100xf32>
      %jit3A_173 = arith.constant 0.000000e+00 : f32
      %broadcast_in_dim3A_174 = vector.broadcast %jit3A_173 : f32 to vector<2x100xf32>
      %select_n3A_175 = arith.select %and3A_171, %slice3A_172, %broadcast_in_dim3A_174 : vector<2x100xi1>, vector<2x100xf32>
      %reduce_sum3A_176 = vector.shape_cast %select_n3A_175 : vector<2x100xf32> to vector<1x2x100xf32>
      %reduce_sum3A_177 = arith.constant dense<0.000000e+00> : vector<1xf32>
      %reduce_sum3A_178 = vector.multi_reduction <add>, %reduce_sum3A_176, %reduce_sum3A_177 [1, 2] : vector<1x2x100xf32> to vector<1xf32>
      %reduce_sum3A_179 = vector.shape_cast %reduce_sum3A_178 : vector<1xf32> to vector<1x1x1xf32>
      %reduce_sum3A_180 = vector.extract %reduce_sum3A_179[0, 0, 0] : f32 from vector<1x1x1xf32>
      %div3A_181 = arith.divf %reduce_sum3A_180, %select_n3A_106 : f32
      %sub3A_182 = arith.subf %div3A_181, %mul3A : f32
      %jit3A_183 = arith.constant 0.000000e+00 : f32
      %select_n3A_184 = arith.select %ge3A_49, %sub3A_182, %jit3A_183 : f32
      %broadcast_in_dim3A_185 = vector.broadcast %select_n3A_184 : f32 to vector<1x128xf32>
      %select_n3A_186 = arith.select %eq3A_108, %broadcast_in_dim3A_185, %scan3A_38 : vector<1x128xi1>, vector<1x128xf32>
      %jit3A_187 = arith.constant 0.000000e+00 : f32
      %select_n3A_188 = arith.select %ge3A_49, %reduce_max3A_48, %jit3A_187 : f32
      %broadcast_in_dim3A_189 = vector.broadcast %select_n3A_188 : f32 to vector<1x128xf32>
      %select_n3A_190 = arith.select %eq3A_108, %broadcast_in_dim3A_189, %scan3A_39 : vector<1x128xi1>, vector<1x128xf32>
      %jit3A_191 = arith.constant -1.000000e+00 : f32
      %select_n3A_192 = arith.select %ge3A_49, %reduce_sum3A_90, %jit3A_191 : f32
      %broadcast_in_dim3A_193 = vector.broadcast %select_n3A_192 : f32 to vector<1x128xf32>
      %select_n3A_194 = arith.select %eq3A_108, %broadcast_in_dim3A_193, %scan3A_40 : vector<1x128xi1>, vector<1x128xf32>
      %jit3A_195 = arith.constant 0.000000e+00 : f32
      %broadcast_in_dim3A_196 = vector.broadcast %jit3A_195 : f32 to vector<2x100xf32>
      %select_n3A_197 = arith.select %and3A_68, %broadcast_in_dim3A_196, %scan3A_34 : vector<2x100xi1>, vector<2x100xf32>
      scf.yield %select_n3A_197, %select_n3A_126, %select_n3A_146, %select_n3A_166, %select_n3A_186, %select_n3A_190, %select_n3A_194 : vector<2x100xf32>, vector<1x128xf32>, vector<1x128xf32>, vector<1x128xf32>, vector<1x128xf32>, vector<1x128xf32>, vector<1x128xf32>
    }
    %scan3A_29 = arith.constant 100 : i32
    %concatenate3A_30 = tpu.concatenate %scan3A_28#1, %scan3A_28#2, %scan3A_28#3, %scan3A_28#4, %scan3A_28#5, %scan3A_28#6, %broadcast_in_dim3A_22, %broadcast_in_dim3A_22 in 0 : vector<1x128xf32>, vector<1x128xf32>, vector<1x128xf32>, vector<1x128xf32>, vector<1x128xf32>, vector<1x128xf32>, vector<1x128xf32>, vector<1x128xf32> -> vector<8x128xf32>
    %swap3A = arith.constant 0 : index
    %swap3A_31 = arith.constant 0 : index
    %swap3A_32 = vector.load %arg2[%swap3A, %swap3A_31] : memref<8x128xf32, #tpu.memory_space<vmem>>, vector<8x128xf32>
    tpu.vector_store %arg2[%swap3A, %swap3A_31], %concatenate3A_30 {strides = array<i32>} : memref<8x128xf32, #tpu.memory_space<vmem>>, vector<8x128xf32>,
    return
  }
}

</mosaic_0001>

<sc_bundles>
// kernel: kernel.4.cloned.1.call-start
scs
__scs_entry_jumppad:
0x0: {  	(pc) =	sbr.rel $0x88, $3  }
0x1: {  	(tag) =	ssettag $0x0;
	lr =	simm.s32 $0x1  }
0x2: {  	[smem:$0x3F9E] =	sst lr;
	_ =	strace $0xD0000000  }
0x3: {  	_ = 	snop  }
0x4: {  	_ = 	snop  }
0x5: {  	_ = 	snop  }
0x6: {  	_ = 	snop  }
0x7: {  	_ = 	snop  }
__scs_overlays_trampoline_lowered:
0x8: {  	[smem:$0x3FAD] =	sst s0  }
0x9: {  	[smem:$0x3FAE] =	sst s1  }
0xa: {  	[smem:$0x3FAF] =	sst s2  }
0xb: {  	[smem:$0x3FB0] =	sst s3  }
0xc: {  	[smem:$0x3FB1] =	sst s4  }
0xd: {  	[smem:$0x3FB2] =	sst s5  }
0xe: {  	[smem:$0x3FB3] =	sst s6  }
0xf: {  	[smem:$0x3FB4] =	sst s7  }
0x10: {  	[smem:$0x3FB5] =	sst s8  }
0x11: {  	[smem:$0x3FB6] =	sst s9;
	s0 =	simm.s32 @!p0 $0x0  }
0x12: {  	s1 =	sld [smem:$0x3F9C];
	s0 =	simm.s32 @p0 $0x1  }
0x13: {  	[smem:$0x3FB7] =	sst s0;
	s0 =	simm.s32 @!p1 $0x0  }
0x14: {  	s2 =	sld [smem:$0x3F9B];
	s0 =	simm.s32 @p1 $0x1  }
0x15: {  	[smem:$0x3FB8] =	sst s0;
	s0 =	simm.s32 @!p2 $0x0  }
0x16: {  	s3 =	sld [smem:$0x3FDB];
	s0 =	simm.s32 @p2 $0x1  }
0x17: {  	s4 =	simm.s32 $0x1BF5;
	[smem:$0x3FBA] =	sst s0  }
0x18: {  	s0 =	sld [smem:$0x3F9D];
	_ =	swait.ge [sflag:s4], $0x0  }
0x19: {  	s7 =	sld [smem:$0x3F9E]  }
0x1a: {  	s8 =	sadd.s32 $0xFFFFE003, lr  }
0x1b: {  	s9 =	sadd.s32 $0xFFFFFEF7, lr;
	s5 =	simm.s32 $0xFFFFFFFF;
	p2 =	slt.u32 s8, $0xFFFFF086  }
0x1c: {  	p1 =	slt.u32 s9, $0xF7A;
	s5 =	simm.s32 @!p2 $0x0  }
0x1d: {  	s5 =	simm.s32 @p1 $0x1;
	p0 =	seq.s32 s7, s2  }
0x1e: {  	s7 =	smul.u32 @!p0 $0xF7A, s2;
	p2 =	seq.s32 @!p0 s5, $0x0  }
0x1f: {  	s9 =	smul.u32 $0xF7A, s1;
	s8 =	simm.s32 @!p0 $0x1BF5;
	p2 =	por !p2, p0  }
0x20: {  	[sflag:s8] =	ssyncset.s32 @!p0 $0xFFFFF086;
	s6 =	sadd.s32 @!p0 s3, s7;
	s7 =	simm.s32 @!p0 $0x108  }
0x21: {  	s3 =	sadd.s32 s3, s9;
	s6 =	sadd.s32 @!p0 $0x88, s6;
	s7 =	simm.s32 @p2 $0x1082  }
0x22: {  	[simem:s7], [sflag:s8] =	dma.local @!p0 [hbm:s6], $0xF7A  }
0x23: {  	s9 =	sor.u32 $0xD0000000, s2;
	s6 =	simm.s32 $0x108;
	_ =	swait.ge @!p0 [sflag:s8], $0x0  }
0x24: {  	s3 =	sadd.s32 $0x88, s3;
	s6 =	simm.s32 @!p1 $0x1082;
	[sflag:s4] =	ssyncset.s32 $0xFFFFF086  }
0x25: {  	[simem:s6], [sflag:s4] =	dma.local [hbm:s3], $0xF7A  }
0x26: {  	[smem:$0x3F9E] =	sst s1;
	(tag) =	ssettag s2;
	_ =	strace s9  }
0x27: {  	s1 =	sld [smem:$0x3FAE]  }
0x28: {  	s2 =	sld [smem:$0x3FAF]  }
0x29: {  	s4 =	sld [smem:$0x3FB1]  }
0x2a: {  	p0 =	seq.s32 s5, $0x0;
	s5 =	sld [smem:$0x3FB2]  }
0x2b: {  	s6 =	sld [smem:$0x3FB3]  }
0x2c: {  	s7 =	sld [smem:$0x3FB4]  }
0x2d: {  	s3 =	simm.s32 $0x108;
	s8 =	sld [smem:$0x3FB5]  }
0x2e: {  	s3 =	simm.s32 @!p0 $0x1082;
	s9 =	sld [smem:$0x3FB6]  }
0x2f: {  	lr =	sadd.s32 s0, s3;
	s0 =	sld [smem:$0x3FAD]  }
0x30: {  	s3 =	sld [smem:$0x3FB0]  }
0x31: {  	[smem:$0x3FB9] =	sst s10  }
0x32: {  	s10 =	sld [smem:$0x3FB7];
	_ =	sdelay $0x3  }
0x33: {  	p0 =	seq.s32 s10, $0x1;
	s10 =	sld [smem:$0x3FB9];
	_ =	sdelay $0x3  }
0x34: {  	[smem:$0x3FB9] =	sst s10  }
0x35: {  	s10 =	sld [smem:$0x3FB8];
	_ =	sdelay $0x3  }
0x36: {  	p1 =	seq.s32 s10, $0x1;
	s10 =	sld [smem:$0x3FB9];
	_ =	sdelay $0x3  }
0x37: {  	[smem:$0x3FB9] =	sst s10  }
0x38: {  	s10 =	sld [smem:$0x3FBA]  }
0x39: {  	_ = 	snop;
	(pc) =	sbr.ind lr, $3  }
0x3a: {  	_ = 	snop  }
0x3b: {  	_ = 	snop  }
0x3c: {  	p2 =	seq.s32 s10, $0x1;
	s10 =	sld [smem:$0x3FB9]  }
0x3d: {  	_ =	shalt  }
0x3e: {  	_ =	shalt  }
0x3f: {  	_ =	shalt  }
0x40: {  	_ =	shalt  }
0x41: {  	_ =	shalt  }
0x42: {  	_ =	shalt  }
0x43: {  	_ =	shalt  }
0x44: {  	_ =	shalt  }
0x45: {  	_ =	shalt  }
0x46: {  	_ =	shalt  }
0x47: {  	_ =	shalt  }
0x48: {  	_ =	shalt  }
0x49: {  	_ =	shalt  }
0x4a: {  	_ =	shalt  }
0x4b: {  	_ =	shalt  }
0x4c: {  	_ =	shalt  }
0x4d: {  	_ =	shalt  }
0x4e: {  	_ =	shalt  }
0x4f: {  	_ =	shalt  }
0x50: {  	_ =	shalt  }
0x51: {  	_ =	shalt  }
0x52: {  	_ =	shalt  }
0x53: {  	_ =	shalt  }
0x54: {  	_ =	shalt  }
0x55: {  	_ =	shalt  }
0x56: {  	_ =	shalt  }
0x57: {  	_ =	shalt  }
0x58: {  	_ =	shalt  }
0x59: {  	_ =	shalt  }
0x5a: {  	_ =	shalt  }
0x5b: {  	_ =	shalt  }
0x5c: {  	_ =	shalt  }
0x5d: {  	_ =	shalt  }
0x5e: {  	_ =	shalt  }
0x5f: {  	_ =	shalt  }
0x60: {  	_ =	shalt  }
0x61: {  	_ =	shalt  }
0x62: {  	_ =	shalt  }
0x63: {  	_ =	shalt  }
0x64: {  	_ =	shalt  }
0x65: {  	_ =	shalt  }
0x66: {  	_ =	shalt  }
0x67: {  	_ =	shalt  }
0x68: {  	_ =	shalt  }
0x69: {  	_ =	shalt  }
0x6a: {  	_ =	shalt  }
0x6b: {  	_ =	shalt  }
0x6c: {  	_ =	shalt  }
0x6d: {  	_ =	shalt  }
0x6e: {  	_ =	shalt  }
0x6f: {  	_ =	shalt  }
0x70: {  	_ =	shalt  }
0x71: {  	_ =	shalt  }
0x72: {  	_ =	shalt  }
0x73: {  	_ =	shalt  }
0x74: {  	_ =	shalt  }
0x75: {  	_ =	shalt  }
0x76: {  	_ =	shalt  }
0x77: {  	_ =	shalt  }
0x78: {  	_ =	shalt  }
0x79: {  	_ =	shalt  }
0x7a: {  	_ =	shalt  }
0x7b: {  	_ =	shalt  }
0x7c: {  	_ =	shalt  }
0x7d: {  	_ =	shalt  }
0x7e: {  	_ =	shalt  }
0x7f: {  	_ =	shalt  }
0x80: {  	_ =	shalt  }
0x81: {  	_ =	shalt  }
0x82: {  	_ =	shalt  }
0x83: {  	_ =	shalt  }
0x84: {  	_ =	shalt  }
0x85: {  	_ =	shalt  }
0x86: {  	_ =	shalt  }
0x87: {  	_ =	shalt  }
.Lfunc_end0:
.L_simem_size_0:
called_computation_lowered:
.L_overlay_start_0:
0x88: {  	s2 =	sld [smem:$0x3FD9]  }
0x89: {  	s3 =	sld [smem:$0x3FFE];
	_ =	sdelay $0x1  }
0x8a: {  	s1 =	srdreg.scid  }
0x8b: {  	s0 =	sand.u32 $0x1, s1  }
0x8c: {  	s16 =	sshll.u32 s0, $0xA;
	s2 =	sadd.s32 s3, s2  }
0x8d: {  	s2 =	sadd.s32 s2, s16  }
0x8e: {  	[smem:$0x3FC5] =	sst s2  }
0x8f: {  	_ = 	snop  }
0x90: {  	(tm) =	ssettm $0x1  }
0x91: {  	s17 =	sld [smem:$0x3FFB];
	_ =	sdelay $0x3  }
0x92: {  	_ =	strace s17  }
0x93: {  	s2 =	sld [smem:$0x3FFC];
	_ =	sdelay $0x3  }
0x94: {  	_ =	strace s2  }
0x95: {  	s2 =	sld [smem:$0x3FFD];
	_ =	sdelay $0x3  }
0x96: {  	_ =	strace s2  }
0x97: {  	_ =	strace $0x8FFFFFFF  }
0x98: {  	s18 =	sld [smem:$0x3FDB];
	_ =	sdelay $0x1  }
0x99: {  	s19 =	simm.s32 $_scs_section_size  }
0x9a: {  	s4 =	simm.s32 $_size__tile_overlayer_lowered;
	s5 =	simm.s32 $_tile_overlayer_lowered  }
0x9b: {  	s22 =	simm.s32 $0x1BFF;
	s21 =	sshll.u32 s5, $0x1;
	s2 =	sadd.s32 s19, s18  }
0x9c: {  	s6 =	simm.s32 $0x0;
	s20 =	sshll.u32 s4, $0x1;
	s4 =	sadd.s32 s21, s2  }
0x9d: {  	[timem:s6], [sflag:s22] =	dma.local [hbm:s4], s20  }
0x9e: {  	_ =	swait.ge [sflag:s22], s20  }
0x9f: {  	s3 =	ssub.s32 $0x0, s20;
	[sflag:s22] =	ssyncset.done $0x0  }
0xa0: {  	[sflag:s22] =	ssyncadd.s32 s3;
	_ =	sdelay $0x1  }
0xa1: {  	s23 =	simm.s32 $0x1B8B  }
0xa2: {  	_ =	swait.ge [sflag:s23], $0x1  }
0xa3: {  	[sflag:s23] =	ssyncset.done $0x0  }
0xa4: {  	s25 =	simm.s32 $0x1B8E;
	s24 =	sld [smem:$0x3FFE];
	[sflag:s23] =	ssyncadd.s32 $0xFFFFFFFF  }
0xa5: {  	s26 =	simm.s32 $execute0_lowered;
	[smem:$0x3FD2] =	sst s25  }
0xa6: {  	s4 =	sshll.u32 s26, $0x1;
	_ =	strace $0x80000046;
	[dreg:$0x1] =	wrdreg $0xFFFFFFFF  }
0xa7: {  	s28 =	simm.s32 $_size_execute0_lowered;
	s2 =	sadd.s32 s2, s4;
	[dreg:$0x0] =	wrdreg $0x0  }
0xa8: {  	s4 =	sshll.u32 s28, $0x1;
	[dreg:$0x2] =	wrdreg s2  }
0xa9: {  	[dreg:$0x3] =	wrdreg s4  }
0xaa: {  	[dreg:$0x4] =	wrdreg $0xC0  }
0xab: {  	_ =	task [dreg:s6], $0x5FFFF  }
0xac: {  	[dreg:$0x1] =	wrdreg $0xFFFFFFFF  }
0xad: {  	[dreg:$0x0] =	wrdreg $0x60  }
0xae: {  	[dreg:$0x2] =	wrdreg s24  }
0xaf: {  	[dreg:$0x3] =	wrdreg $0x38800  }
0xb0: {  	[dreg:$0x4] =	wrdreg $0x9  }
0xb1: {  	_ =	task.clear_ibuf [dreg:s6], $0x5FFFF;
	_ =	strace $0x90000046  }
0xb2: {  	s29 =	simm.s32 $0x9;
	_ =	strace $0x80000048  }
0xb3: {  	_ =	swait.ge [sflag:s29], $0x1  }
0xb4: {  	[sflag:s29] =	ssyncadd.s32 $0xFFFFFFFF  }
0xb5: {  	_ =	strace $0x90000048  }
0xb6: {  	_ =	sfence  }
0xb7: {  	s30 =	sld [smem:$0x0];
	_ =	sdelay $0x2  }
0xb8: {  	s31 =	sshll.u32 s1, $0xD;
	s1 =	sshrl.u32 s1, $0x2  }
0xb9: {  	s3 =	sand.u32 $0x4000, s31;
	s1 =	sadd.s32 s1, s30  }
0xba: {  	s0 =	sor.u32 s3, s0;
	s1 =	sshll.u32 s1, $0x11  }
0xbb: {  	s0 =	sor.u32 s1, s0  }
0xbc: {  	s0 =	sadd.s32 $0x8F2B, s0  }
0xbd: {  	[sflag:s0] =	ssyncadd.remote.s32 $0x1  }
0xbe: {  	_ =	sfence.sel $0xFFFF  }
0xbf: {  	[dreg:$0x0] =	wrdreg $0xFFFFFFFF;
	(pc) =	sbr.abs _section_cstart, $3  }
0xc0: {  	[dreg:$0x1] =	wrdreg $0xFFFFFFFF  }
0xc1: {  	_ =	task.clear_ibuf [dreg:s6], $0x2FFFF;
	_ =	strace $0x9FFFFFFF  }
0xc2: {  	(tm) =	ssettm $0x7FFFFFFF  }
0xc3: {  	_ =	shalt  }
tec
execute0_lowered:
.L_overlay_start_1:
0x0: {  	(tag) =	ssettag $0x1  }
0x1: {  	s0 =	srdreg.scid  }
0x2: {  	s6 =	rddreg [dreg:$0x0];
	s19 =	stileid.u32  }
0x3: {  	s1 =	rddreg [dreg:$0x1];
	s15 =	simm.s32 $0x1;
	s20 =	simm.s32 $0x1900  }
0x4: {  	s21 =	simm.s32 $0x2300;
	s22 =	simm.s32 $0x2380;
	s23 =	simm.s32 $0x2B80  }
0x5: {  	s29 =	simm.s32 $0x0;
	s5 =	sand.u32 $0x1, s0;
	s2 =	sshll.u32 s19, $0x7  }
0x6: {  	p0 =	sne.s32 s19, $0x0;
	p1 =	seq.s32 s19, $0x0;
	s7 =	sshll.u32 s5, $0x4  }
0x7: {  	s4 =	smul.u32 $0x28, s5;
	s10 =	sand.u32 $0x380, s2;
	s24 =	ssub.s32 $0x2, s5  }
0x8: {  	s3 =	sor.u32 s19, s7;
	s7 =	sadd.s32 s7, s6;
	s26 =	sshrl.u32 s24, $0x1  }
0x9: {  	vm0 =	vmmov $0x1;
	s3 =	sshrl.u32 s3, $0x3;
	s9 =	scvt.s32.f32 s4;
	s4 =	sadd.s32 $0x28, s4  }
0xa: {  	v2 =	vlaneseq.u32;
	vm10 =	vcmask $0x2F38;
	vm11 =	vcmask $0x3338;
	s28 =	ssub.s32 s24, s26;
	s13 =	sadd.s32 $0x5600, s7;
	s8 =	smul.u32 $0x3400, s3  }
0xb: {  	vm6 =	vmxor vm6, vm6;
	vm13 =	vcmask $0x314;
	v3 =	vmul.u32 $0x80, v2;
	s3 =	simm.s32 $0x0;
	s11 =	scvt.s32.f32 s4;
	s4 =	smul.u32 $0x4F0, s19  }
0xc: {  	vm14 =	vcmask $0x714;
	vm15 =	vcmask $0xB14;
	vm1 =	vcmask $0xF14;
	s26 =	simm.s32 $0x0;
	s14 =	smax.u32 s28, $0x1;
	[smem:$0x7FF] =	sst s3  }
0xd: {  	v4 =	vor.u32 $0x1, v3;
	v5 =	vor.u32 $0x2, v3;
	v6 =	vor.u32 $0x3, v3;
	s8 =	sor.u32 s10, s8;
	_ =	strace $0x80000047;
	s25 =	sshrl.u32 s4, $0x3  }
0xe: {  	v7 =	vor.u32 $0x4, v3;
	v8 =	vor.u32 $0x5, v3;
	v1 =	vmov s11;
	s11 =	sadd.s32 s2, s1;
	s8 =	sshrl.u32 s8, $0x3;
	s5 =	sadd.s32 s6, s25  }
0xf: {  	v9 =	vor.u32 $0x6, v3;
	v10 =	vor.u32 $0x7, v3;
	v11 =	vor.u32 $0x8, v3;
	s12 =	sadd.s32 s8, s6;
	s30 =	sadd.s32 $0x2800, s5;
	s31 =	sadd.s32 $0x1E00, s5  }
0x10: {  	v12 =	vor.u32 $0x9, v3;
	v13 =	vor.u32 $0xA, v3;
	v0 =	vmov s9;
	s8 =	sadd.s32 $0x1400, s5;
	s9 =	sadd.s32 $0xA00, s5;
	[dreg:$0x3] =	wrdreg s30  }
0x11: {  	v14 =	vor.u32 $0xB, v3;
	v15 =	vor.u32 $0xC, v3;
	v16 =	vor.u32 $0xD, v3;
	s10 =	sadd.s32 $0x3200, s5;
	[dreg:$0x4] =	wrdreg s31;
	s12 =	sadd.s32 $0x3C00, s12  }
.LBB2_1:
0x12: {  	s0 =	rddreg [dreg:$0x3]  }
0x13: {  	[tilespmem:s3], [sflag:$0x1] =	stream.linear.gather [hbm4b:s0+s3], $0x4F0, $0x38;
	[tilespmem:$0x3980] =	vst v63  }
0x14: {  	_ =	swait.ge [sflag:s15], $0x4F0  }
0x15: {  	[sflag:s15] =	ssyncset.done $0x0  }
0x16: {  	s6 =	simm.s32 $0x500;
	s24 =	rddreg [dreg:$0x4];
	[sflag:s15] =	ssyncadd.s32 $0xFFFFFB10  }
0x17: {  	[tilespmem:s6], [sflag:$0x1] =	stream.linear.gather [hbm4b:s24+s3], $0x4F0, $0x38;
	[tilespmem:$0x3980] =	vst v63  }
0x18: {  	_ =	swait.ge [sflag:s15], $0x4F0  }
0x19: {  	[sflag:s15] =	ssyncset.done $0x0  }
0x1a: {  	s25 =	simm.s32 $0xA00;
	[sflag:s15] =	ssyncadd.s32 $0xFFFFFB10  }
0x1b: {  	[tilespmem:s25], [sflag:$0x1] =	stream.linear.gather [hbm4b:s8+s3], $0x4F0, $0x38;
	[tilespmem:$0x3980] =	vst v63  }
0x1c: {  	_ =	swait.ge [sflag:s15], $0x4F0  }
0x1d: {  	[sflag:s15] =	ssyncset.done $0x0  }
0x1e: {  	s28 =	simm.s32 $0xF00;
	[sflag:s15] =	ssyncadd.s32 $0xFFFFFB10  }
0x1f: {  	[tilespmem:s28], [sflag:$0x1] =	stream.linear.gather [hbm4b:s9+s3], $0x4F0, $0x38;
	[tilespmem:$0x3980] =	vst v63  }
0x20: {  	_ =	swait.ge [sflag:s15], $0x4F0  }
0x21: {  	[sflag:s15] =	ssyncset.done $0x0  }
0x22: {  	s30 =	simm.s32 $0x1400;
	[sflag:s15] =	ssyncadd.s32 $0xFFFFFB10  }
0x23: {  	[tilespmem:s30], [sflag:$0x1] =	stream.linear.gather [hbm4b:s10+s3], $0x4F0, $0x38;
	[tilespmem:$0x3980] =	vst v63  }
0x24: {  	_ =	swait.ge [sflag:s15], $0x4F0  }
0x25: {  	[sflag:s15] =	ssyncset.done $0x0  }
0x26: {  	[sflag:s15] =	ssyncadd.s32 $0xFFFFFB10  }
0x27: {  	[tilespmem:s20], [sflag:$0x1] =	stream.linear.gather [hbm4b:s5+s3], $0x4F0, $0x38;
	[tilespmem:$0x3980] =	vst v63  }
0x28: {  	_ =	swait.ge [sflag:s15], $0x4F0  }
0x29: {  	[sflag:s15] =	ssyncset.done $0x0  }
0x2a: {  	s31 =	simm.s32 $0x0;
	[sflag:s15] =	ssyncadd.s32 $0xFFFFFB10  }
0x2b: {  	v18 =	vld [tilespmem:s31+$0xA00]  }
0x2c: {  	v17 =	vimm.f32 $0.0e+00;
	s0 =	simm.s32 $0x40;
	v19 =	vld [tilespmem:s31+$0xF00]  }
.LBB2_2:
0x2d: {  	p2 =	sne.s32 s0, $0x1380  }
.Ltmp0:
0x2e: {  	_ = 	snop;
	(pc) =	sbr.rel @p2 .LBB2_2-.Ltmp0, $4  }
0x2f: {  	_ = 	snop  }
0x30: {  	s6 =	sshra.s32 s0, $0x2  }
0x31: {  	s0 =	sadd.s32 $0x40, s0;
	v20 =	vmax.f32 v18, v19;
	v18 =	vld [tilespmem:s6+$0xA00]  }
0x32: {  	v19 =	vld [tilespmem:s6+$0xF00];
	v17 =	vmax.f32 v17, v20  }
0x33: {  	_ =	sdelay $0x3  }
0x34: {  	v18 =	vmax.f32 v18, v19  }
0x35: {  	v17 =	vmax.f32 v17, v18  }
0x36: {  	(xrf0) =	vmax.scan.msk.f32 $0xffff, v17;
	_ =	sdelay $0x5  }
0x37: {  	v17, _, _ =	vpop (xrf0)  }
0x38: {  	v17 =	vbroadcast v17, $0xF;
	_ =	sdelay $0x1  }
0x39: {  	v17 =	vnsel vm0, $0x0, v17  }
0x3a: {  	[tilespmem:$0x2300] =	vst v17  }
0x3b: {  	[spmem:s11] =	stream.linear.scatter [tilespmem:s21], [sflag:$0x1], $0x80, $0x38;
	[tilespmem:$0x3980] =	vst v63  }
0x3c: {  	_ =	swait.ge [sflag:s15], $0x80  }
0x3d: {  	[sflag:s15] =	ssyncset.done $0x0  }
0x3e: {  	[sflag:s15] =	ssyncadd.s32 $0xFFFFFF80  }
0x3f: {  	[bflag:$0x0] =	sbarrier.arrive $0xFFFF  }
0x40: {  	[tilespmem:s22], [sflag:$0x1] =	stream.linear.gather [spmem:s1], $0x800, $0x38;
	[tilespmem:$0x3980] =	vst v63  }
0x41: {  	_ =	swait.ge [sflag:s15], $0x800  }
0x42: {  	[sflag:s15] =	ssyncset.done $0x0  }
0x43: {  	[sflag:s15] =	ssyncadd.s32 $0xFFFFF800  }
0x44: {  	v17 =	vld.idx.msk [tilespmem:v3+s22+$0x0], $0xffff;
	_ =	sdelay $0x4  }
0x45: {  	(xrf0) =	vmax.scan.msk.f32 $0xffff, v17;
	_ =	sdelay $0x5  }
0x46: {  	v17, _, _ =	vpop (xrf0)  }
0x47: {  	(v2sf) =	vpush v17, $0xF;
	_ =	sdelay $0xc  }
0x48: {  	s7 =	simm.s32 $0x0  }
0x49: {  	v20 =	vld [tilespmem:s7+$0x1900]  }
0x4a: {  	s0 =	spop (v2sf)  }
0x4b: {  	v18 =	vld [tilespmem:s7+$0x0];
	s28 =	sadd.f32 $1.000000000e+00, s0  }
0x4c: {  	v19 =	vld [tilespmem:s7+$0x500]  }
0x4d: {  	v21 =	vld [tilespmem:s7+$0xA00];
	v17 =	vmov s28  }
0x4e: {  	v23 =	vld [tilespmem:s7+$0xF00];
	v22 =	vmul.f32 v20, v17;
	_ =	sdelay $0x1  }
0x4f: {  	v25 =	vld [tilespmem:s7+$0x1400];
	s0 =	simm.s32 $0x10;
	v24 =	vadd.f32 v22, v18  }
0x50: {  	v18 =	vld [tilespmem:s0+$0x1900];
	v26 =	vadd.f32 v19, v22  }
0x51: {  	v28 =	vadd.f32 v21, v22;
	[tilespmem:s7+$0x0] =	vst v24  }
0x52: {  	v22 =	vadd.f32 v23, v22;
	v27 =	vld [tilespmem:s0+$0x0];
	[tilespmem:s7+$0x500] =	vst v26  }
0x53: {  	vm2 =	vge.f32 v20, v0;
	vm3 =	vlt.f32 v20, v1;
	v19 =	vld [tilespmem:s0+$0x500];
	[tilespmem:s7+$0xA00] =	vst v28  }
0x54: {  	vm2 =	vmand vm2, vm3;
	v20 =	vsub.f32 v28, v24;
	v23 =	vsub.f32 v22, v26;
	v21 =	vld [tilespmem:s0+$0xA00];
	[tilespmem:s7+$0xF00] =	vst v22  }
0x55: {  	v25 =	vnsel vm2, $0xBF800000, v25;
	v22 =	vmul.f32 v18, v17;
	v24 =	vld [tilespmem:s0+$0xF00]  }
0x56: {  	[tilespmem:s7+$0x1400] =	vst v25;
	v25 =	vmul.f32 v23, v20  }
0x57: {  	s6 =	simm.s32 $0x0;
	s16 =	simm.s32 $0x20;
	s17 =	simm.s32 $0xC0;
	v20 =	vld [tilespmem:s0+$0x1400];
	v23 =	vadd.f32 v22, v27  }
.LBB2_4:
0x58: {  	p2 =	sne.s32 s17, $0x1380;
	v26 =	vld [tilespmem:s16+$0x1900];
	v27 =	vadd.f32 v19, v22;
	[tilespmem:s7+$0x1E00] =	vst v25;
	s7 =	smov.u32 s0;
	s0 =	smov.u32 s16  }
0x59: {  	v21 =	vadd.f32 v21, v22;
	[tilespmem:s7+$0x0] =	vst v23  }
0x5a: {  	vm2 =	vge.f32 v18, v0;
	vm3 =	vlt.f32 v18, v1;
	v28 =	vld [tilespmem:s0+$0x0];
	v22 =	vadd.f32 v24, v22;
	[tilespmem:s7+$0x500] =	vst v27  }
.Ltmp1:
0x5b: {  	vm2 =	vmand vm2, vm3;
	v19 =	vld [tilespmem:s0+$0x500];
	[tilespmem:s7+$0xA00] =	vst v21;
	v23 =	vsub.f32 v21, v23;
	(pc) =	sbr.rel @p2 .LBB2_4-.Ltmp1, $4  }
0x5c: {  	v21 =	vld [tilespmem:s0+$0xA00];
	[tilespmem:s7+$0xF00] =	vst v22;
	v25 =	vsub.f32 v22, v27;
	v20 =	vnsel vm2, $0xBF800000, v20  }
0x5d: {  	v22 =	vmul.f32 v26, v17;
	v24 =	vld [tilespmem:s0+$0xF00];
	[tilespmem:s7+$0x1400] =	vst v20;
	v18 =	vmov v26  }
0x5e: {  	v25 =	vmul.f32 v25, v23  }
0x5f: {  	s16 =	sshra.s32 s17, $0x2;
	s17 =	sadd.s32 $0x40, s17;
	v23 =	vadd.f32 v22, v28;
	v20 =	vld [tilespmem:s0+$0x1400]  }
0x60: {  	v26 =	vld [tilespmem:s16+$0x1900];
	[tilespmem:s7+$0x1E00] =	vst v25;
	v19 =	vadd.f32 v19, v22  }
0x61: {  	[tilespmem:s0+$0x0] =	vst v23;
	v21 =	vadd.f32 v21, v22  }
0x62: {  	v25 =	vld [tilespmem:s16+$0x0];
	[tilespmem:s0+$0x500] =	vst v19;
	v22 =	vadd.f32 v24, v22  }
0x63: {  	v27 =	vld [tilespmem:s16+$0x500];
	[tilespmem:s0+$0xA00] =	vst v21  }
0x64: {  	v63 =	vld [tilespmem:s16+$0xA00];
	[tilespmem:s0+$0xF00] =	vst v22  }
0x65: {  	vm2 =	vge.f32 v18, v0;
	vm3 =	vlt.f32 v18, v1;
	v18 =	vld [tilespmem:s16+$0xF00]  }
0x66: {  	vm2 =	vmand vm2, vm3;
	v21 =	vsub.f32 v21, v23;
	v19 =	vsub.f32 v22, v19  }
0x67: {  	v20 =	vnsel vm2, $0xBF800000, v20;
	v17 =	vmul.f32 v26, v17  }
0x68: {  	[tilespmem:s0+$0x1400] =	vst v20;
	v19 =	vmul.f32 v19, v21  }
0x69: {  	v21 =	vld [tilespmem:s16+$0x1400];
	v20 =	vadd.f32 v17, v25;
	v22 =	vadd.f32 v27, v17  }
0x6a: {  	[tilespmem:s0+$0x1E00] =	vst v19;
	v19 =	vadd.f32 v63, v17;
	v17 =	vadd.f32 v18, v17  }
0x6b: {  	vm2 =	vge.f32 v26, v0;
	[tilespmem:s16+$0x0] =	vst v20  }
0x6c: {  	vm3 =	vlt.f32 v26, v1;
	[tilespmem:s16+$0x500] =	vst v22;
	v18 =	vsub.f32 v19, v20;
	v20 =	vsub.f32 v17, v22  }
0x6d: {  	vm2 =	vmand vm2, vm3;
	[tilespmem:s16+$0xA00] =	vst v19  }
0x6e: {  	[tilespmem:s16+$0xF00] =	vst v17;
	v17 =	vnsel vm2, $0xBF800000, v21;
	v18 =	vmul.f32 v20, v18  }
0x6f: {  	[tilespmem:s16+$0x1400] =	vst v17  }
0x70: {  	s31 =	simm.s32 $0x1400;
	[tilespmem:s16+$0x1E00] =	vst v18  }
0x71: {  	v21 =	vld [tilespmem:s31+$0x0];
	_ =	sdelay $0x3  }
0x72: {  	v19 =	vimm.s32 $0x0;
	v22 =	vimm.f32 $-1.000000000e+00;
	v17 =	vimm.f32 $-1.000000000e+00  }
0x73: {  	s0 =	simm.s32 $0x10;
	v20 =	vimm.s32 $0x0;
	v18 =	vor.u32 s6, v2;
	s6 =	simm.s32 $0x1410;
	vm2 =	vgt.f32 v21, v17  }
.LBB2_6:
0x74: {  	v23 =	vld [tilespmem:s6+$0x0];
	p2 =	sne.s32 s0, $0x4E0;
	vm3 =	vgt.f32 v21, v17;
	v22 =	vsel vm2, v21, v22;
	v20 =	vsel vm2, v18, v20;
	s7 =	smov.u32 s0;
	s0 =	sadd.s32 $0x10, s0  }
.Ltmp2:
0x75: {  	v22 =	vsel vm3, v17, v22;
	v20 =	vsel vm3, v19, v20;
	v17 =	vsel vm3, v21, v17;
	(pc) =	sbr.rel @p2 .LBB2_6-.Ltmp2, $2  }
0x76: {  	v19 =	vsel vm3, v18, v19;
	_ =	sdelay $0x2  }
0x77: {  	s6 =	sadd.s32 $0x10, s6;
	v18 =	vor.u32 s7, v2;
	vm2 =	vgt.f32 v23, v22;
	v21 =	vmov v23  }
0x78: {  	vm3 =	vgt.f32 v21, v17;
	v22 =	vsel vm2, v21, v22  }
0x79: {  	v23 =	vsel vm2, v18, v20;
	v20 =	vsel vm3, v17, v22  }
0x7a: {  	s30 =	simm.s32 $0x0;
	s31 =	simm.s32 $0x0;
	v22 =	vsel vm3, v19, v23;
	v21 =	vsel vm3, v21, v17;
	v17 =	vsel vm3, v18, v19  }
.LBB2_8:
0x7b: {  	(xrf0) =	vmax.scan.msk.f32 $0xffff, v21;
	_ =	sdelay $0x5  }
0x7c: {  	v18, _, _ =	vpop (xrf0)  }
0x7d: {  	v18 =	vbroadcast v18, $0xF;
	_ =	sdelay $0x1  }
0x7e: {  	v19 =	vxor.u32 $0x80000000, v17;
	vm2 =	veq.f32 v21, v18  }
0x7f: {  	v19 =	vnsel vm2, $0xBB9ACA00, v19  }
0x80: {  	(xrf0) =	vmin.scan.msk.u32 $0xffff, v19;
	_ =	sdelay $0x5  }
0x81: {  	v19, _, _ =	vpop (xrf0)  }
0x82: {  	(v2sf) =	vpush v19, $0xF;
	_ =	sdelay $0xe  }
0x83: {  	s0 =	spop (v2sf)  }
0x84: {  	s0 =	sxor.u32 $0x80000000, s0  }
0x85: {  	vm3 =	veq.s32 v17, s0  }
0x86: {  	vm2 =	vmand vm2, vm3  }
0x87: {  	v19 =	vsel vm2, v20, v21  }
0x88: {  	(xrf0) =	vmax.scan.msk.f32 $0xffff, v19;
	_ =	sdelay $0x5  }
0x89: {  	v20, _, _ =	vpop (xrf0)  }
0x8a: {  	v20 =	vbroadcast v20, $0xF  }
0x8b: {  	v17 =	vsel vm2, v22, v17  }
0x8c: {  	v17 =	vxor.u32 $0x80000000, v17;
	vm2 =	veq.f32 v19, v20  }
0x8d: {  	v17 =	vnsel vm2, $0xBB9ACA00, v17  }
0x8e: {  	(xrf0) =	vmin.scan.msk.u32 $0xffff, v17;
	_ =	sdelay $0x5  }
0x8f: {  	v17, _, _ =	vpop (xrf0)  }
0x90: {  	(v2sf) =	vpush v17, $0xF;
	_ =	sdelay $0x9  }
0x91: {  	p2 =	slt.s32 s0, $0x4EF  }
0x92: {  	s6 =	sadd.s32 s4, s0;
	s0 =	simm.s32 @!p2 $0x4EF  }
0x93: {  	v17 =	vmov s0;
	_ =	sdelay $0x2  }
0x94: {  	s18 =	spop (v2sf)  }
0x95: {  	s0 =	sxor.u32 $0x80000000, s18  }
0x96: {  	s17 =	simm.s32 $0x500;
	v19 =	vld.idx.msk [tilespmem:v17+s29+$0x0], $0xffff;
	p2 =	slt.s32 s0, $0x4EF;
	s7 =	smov.u32 s0  }
0x97: {  	s16 =	simm.s32 $0xA00;
	v21 =	vld.idx.msk [tilespmem:v17+s17+$0x0], $0xffff;
	s7 =	simm.s32 @!p2 $0x4EF  }
0x98: {  	s6 =	scvt.s32.f32 s6;
	v23 =	vld.idx.msk [tilespmem:v17+s16+$0x0], $0xffff;
	s18 =	simm.s32 $0xF00;
	v22 =	vmov s7  }
0x99: {  	v18 =	vnsel vm0, $0x0, v18;
	vm2 =	veq.s32 v2, $0x1;
	v24 =	vld.idx.msk [tilespmem:v17+s18+$0x0], $0xffff  }
0x9a: {  	v18 =	vsel vm2, s6, v18;
	vm2 =	vcmask $0x738;
	v17 =	vld.idx.msk [tilespmem:v17+s20+$0x0], $0xffff  }
0x9b: {  	v18 =	vsel vm2, v18, v19;
	vm2 =	vcmask $0xB38  }
0x9c: {  	v18 =	vsel vm2, v18, v21;
	vm2 =	vcmask $0xF38  }
0x9d: {  	v18 =	vsel vm2, v18, v23;
	vm2 =	vcmask $0x1338;
	v19 =	vld.idx.msk [tilespmem:v22+s29+$0x0], $0xffff  }
0x9e: {  	s0 =	sadd.s32 s4, s0;
	v18 =	vsel vm2, v18, v24;
	vm2 =	vcmask $0x1738;
	v21 =	vld.idx.msk [tilespmem:v22+s17+$0x0], $0xffff  }
0x9f: {  	s30 =	sadd.s32 $0x1, s30;
	s0 =	scvt.s32.f32 s0;
	v17 =	vsel vm2, v18, v17;
	vm2 =	vcmask $0x1B38;
	v18 =	vld.idx.msk [tilespmem:v22+s16+$0x0], $0xffff  }
0xa0: {  	s19 =	sshrl.u32 s30, $0x1F;
	v17 =	vsel vm2, v17, v20;
	vm2 =	veq.s32 v2, $0x8;
	v20 =	vld.idx.msk [tilespmem:v22+s18+$0x0], $0xffff  }
0xa1: {  	s24 =	sadd.s32 s19, s30;
	v22 =	vld.idx.msk [tilespmem:v22+s20+$0x0], $0xffff;
	v17 =	vsel vm2, s0, v17;
	vm2 =	vcmask $0x2338  }
0xa2: {  	s0 =	sand.u32 $0x7FFFE, s24;
	v17 =	vsel vm2, v17, v19;
	vm2 =	vcmask $0x2738  }
0xa3: {  	s0 =	ssub.s32 s30, s0;
	v17 =	vsel vm2, v17, v21;
	vm2 =	vcmask $0x2B38  }
0xa4: {  	s0 =	sshll.u32 s0, $0xD;
	v17 =	vsel vm2, v17, v18  }
0xa5: {  	s0 =	sshra.s32 s0, $0x2;
	v17 =	vsel vm10, v17, v20  }
0xa6: {  	s0 =	sadd.s32 s0, s1;
	v17 =	vsel vm11, v17, v22  }
0xa7: {  	s25 =	sadd.s32 s2, s0;
	[tilespmem:$0x2300] =	vst v17  }
0xa8: {  	[spmem:s25] =	stream.linear.scatter [tilespmem:s21], [sflag:$0x1], $0x80, $0x38;
	[tilespmem:$0x3980] =	vst v63  }
0xa9: {  	_ =	swait.ge [sflag:s15], $0x80  }
0xaa: {  	[sflag:s15] =	ssyncset.done $0x0  }
0xab: {  	[sflag:s15] =	ssyncadd.s32 $0xFFFFFF80  }
0xac: {  	[bflag:$0x0] =	sbarrier.arrive $0xFFFF  }
0xad: {  	[tilespmem:s22], [sflag:$0x1] =	stream.linear.gather [spmem:s0], $0x800, $0x38;
	[tilespmem:$0x3980] =	vst v63  }
0xae: {  	_ =	swait.ge [sflag:s15], $0x800  }
0xaf: {  	[sflag:s15] =	ssyncset.done $0x0  }
0xb0: {  	[sflag:s15] =	ssyncadd.s32 $0xFFFFF800  }
0xb1: {  	v21 =	vld.idx.msk [tilespmem:v3+s22+$0x0], $0xffff;
	_ =	sdelay $0x4  }
0xb2: {  	(xrf0) =	vmax.scan.msk.f32 $0xffff, v21;
	_ =	sdelay $0x4  }
0xb3: {  	v20 =	vld.idx.msk [tilespmem:v4+s22+$0x0], $0xffff  }
0xb4: {  	v17, _, _ =	vpop (xrf0)  }
0xb5: {  	v18 =	vbroadcast v17, $0xF;
	_ =	sdelay $0x1  }
0xb6: {  	vm2 =	veq.f32 v21, v18  }
0xb7: {  	v19 =	vnsel vm2, $0x4E6E6B28, v20  }
0xb8: {  	(xrf0) =	vmin.scan.msk.f32 $0xffff, v19;
	_ =	sdelay $0x5  }
0xb9: {  	v22 =	vld.idx.msk [tilespmem:v5+s22+$0x0], $0xffff;
	v19, _, _ =	vpop (xrf0)  }
0xba: {  	v27 =	vld.idx.msk [tilespmem:v6+s22+$0x0], $0xffff;
	v19 =	vbroadcast v19, $0xF  }
0xbb: {  	v28 =	vld.idx.msk [tilespmem:v7+s22+$0x0], $0xffff  }
0xbc: {  	v29 =	vld.idx.msk [tilespmem:v8+s22+$0x0], $0xffff;
	vm3 =	veq.f32 v20, v19  }
0xbd: {  	vm2 =	vmand vm2, vm3  }
0xbe: {  	v23 =	vnsel vm2, $0x0, v22  }
0xbf: {  	(xrf2) =	vadd.scan.msk.f32 $0xffff, v23;
	v23 =	vnsel vm2, $0x0, v27  }
0xc0: {  	(xrf2) =	vadd.scan.msk.f32 $0xffff, v23;
	v23 =	vnsel vm2, $0x0, v28  }
0xc1: {  	(xrf2) =	vadd.scan.msk.f32 $0xffff, v23;
	v23 =	vnsel vm2, $0x0, v29  }
0xc2: {  	(xrf2) =	vadd.scan.msk.f32 $0xffff, v23  }
0xc3: {  	v30 =	vld.idx.msk [tilespmem:v10+s22+$0x0], $0xffff;
	_ =	sdelay $0x4  }
0xc4: {  	v31 =	vsel vm3, v30, v21  }
0xc5: {  	(v2sf) =	vpush v17, $0xF;
	(xrf0) =	vmax.scan.msk.f32 $0xffff, v31;
	v24, _, _ =	vpop (xrf2)  }
0xc6: {  	(v2sf) =	vpush v24, $0xF;
	v26, _, _ =	vpop (xrf2)  }
0xc7: {  	(v2sf) =	vpush v26, $0xF;
	v23, _, _ =	vpop (xrf2)  }
0xc8: {  	v32 =	vld.idx.msk [tilespmem:v11+s22+$0x0], $0xffff;
	(v2sf) =	vpush v23, $0xF;
	v25, _, _ =	vpop (xrf2)  }
0xc9: {  	(v2sf) =	vpush v25, $0xF;
	_ =	sdelay $0x1  }
0xca: {  	v33, _, _ =	vpop (xrf0)  }
0xcb: {  	v17 =	vbroadcast v33, $0xF  }
0xcc: {  	v32 =	vsel vm3, v32, v20  }
0xcd: {  	vm4 =	veq.f32 v31, v17;
	v24 =	vbroadcast v24, $0xF;
	v23 =	vbroadcast v23, $0xF  }
0xce: {  	v20 =	vnsel vm4, $0x4E6E6B28, v32;
	v26 =	vbroadcast v26, $0xF  }
0xcf: {  	v36 =	vld.idx.msk [tilespmem:v14+s22+$0x0], $0xffff;
	(xrf0) =	vmin.scan.msk.f32 $0xffff, v20;
	v34 =	vmax.f32 v24, v22;
	v25 =	vbroadcast v25, $0xF;
	v20 =	vmin.f32 v23, v28  }
0xd0: {  	v40 =	vld.idx.msk [tilespmem:v15+s22+$0x0], $0xffff;
	v20 =	vsub.f32 v20, v34  }
0xd1: {  	v48 =	vld.idx.msk [tilespmem:v13+s22+$0x0], $0xffff;
	v37 =	vmax.f32 v26, v27;
	v35 =	vmin.f32 v25, v29  }
0xd2: {  	v31 =	vld.idx.msk [tilespmem:v12+s22+$0x0], $0xffff;
	v47 =	vsub.f32 v35, v37;
	v20 =	vmax.f32 v20, $0.0e+00  }
0xd3: {  	s0 =	spop (v2sf)  }
0xd4: {  	v38 =	vsub.f32 v28, v22;
	v39 =	vsub.f32 v29, v27;
	v34 =	vmax.f32 v47, $0.0e+00;
	s7 =	spop (v2sf)  }
0xd5: {  	v34 =	vmul.f32 v34, v20;
	v20, _, _ =	vpop (xrf0);
	s25 =	spop (v2sf)  }
0xd6: {  	v53 =	vsub.f32 v40, v48;
	v49 =	vmul.f32 v39, v38;
	v20 =	vbroadcast v20, $0xF;
	s19 =	spop (v2sf)  }
0xd7: {  	v51 =	vmax.f32 v24, v31;
	v42 =	vsub.f32 v36, v31;
	v22 =	vsel vm3, v31, v22;
	s24 =	spop (v2sf);
	s6 =	ssub.f32 s19, s7  }
0xd8: {  	v41 =	vmax.f32 v26, v48;
	v27 =	vsel vm3, v48, v27;
	vm5 =	veq.f32 v32, v20;
	s7 =	ssub.f32 s24, s25  }
0xd9: {  	v50 =	vmin.f32 v23, v36;
	v28 =	vsel vm3, v36, v28;
	vm4 =	vmand vm4, vm5  }
0xda: {  	v38 =	vsub.f32 v50, v51;
	v52 =	vmin.f32 v25, v40;
	v22 =	vnsel vm4, $0x0, v22;
	s6 =	smul.f32 s7, s6  }
0xdb: {  	v29 =	vsel vm3, v40, v29;
	v31 =	vsub.f32 v52, v41;
	(xrf2) =	vadd.scan.msk.f32 $0xffff, v22;
	v22 =	vnsel vm4, $0x0, v27  }
0xdc: {  	v32 =	vmul.f32 v53, v42;
	(xrf2) =	vadd.scan.msk.f32 $0xffff, v22;
	v22 =	vnsel vm4, $0x0, v28;
	v37 =	vadd.f32 s6, v49  }
0xdd: {  	v31 =	vmax.f32 v31, $0.0e+00;
	v27 =	vmax.f32 v38, $0.0e+00;
	(xrf2) =	vadd.scan.msk.f32 $0xffff, v22;
	v22 =	vnsel vm4, $0x0, v29  }
0xde: {  	v27 =	vmul.f32 v31, v27;
	(xrf2) =	vadd.scan.msk.f32 $0xffff, v22;
	v28 =	vadd.f32 s6, v32;
	v37 =	vsub.f32 v37, v34;
	_ =	sdelay $0x1  }
0xdf: {  	v28 =	vsub.f32 v28, v27;
	(erf) = vrcp.f32 v37;
	_ =	sdelay $0x1  }
0xe0: {  	(erf) = vrcp.f32 v28;
	_ =	sdelay $0x2  }
0xe1: {  	v22, _, _ =	vpop (xrf2)  }
0xe2: {  	(v2sf) =	vpush v33, $0xF;
	v29, _, _ =	vpop (xrf2)  }
0xe3: {  	(v2sf) =	vpush v22, $0xF;
	v54, _, _ =	vpop (xrf2)  }
0xe4: {  	(v2sf) =	vpush v29, $0xF;
	v55, _, _ =	vpop (xrf2)  }
0xe5: {  	(v2sf) =	vpush v54, $0xF;
	v28 =	vpop (erf)  }
0xe6: {  	(v2sf) =	vpush v55, $0xF;
	v28 =	vmul.f32 v28, v34  }
0xe7: {  	v31 =	vpop (erf)  }
0xe8: {  	vm12 =	vlt.f32 v21, $0.0e+00;
	v27 =	vmul.f32 v31, v27;
	vm5 =	vlt.f32 v28, $6.499999760e-01  }
0xe9: {  	vm7 =	vlt.f32 v30, $0.0e+00;
	vm5 =	vmor vm12, vm5  }
0xea: {  	v28 =	vimm.f32 $0.0e+00;
	vm12 =	vlt.f32 v27, $6.499999760e-01;
	vm5 =	vmor vm3, vm5  }
0xeb: {  	vm7 =	vmor vm7, vm12;
	v21 =	vsel vm5, $0x3F800000, v28  }
0xec: {  	(xrf0) =	vmin.scan.msk.f32 $0xffff, v21;
	v21 =	vsel vm7, $0x3F800000, v28  }
0xed: {  	v30 =	vld [tilespmem:s18+$0x0];
	(xrf0) =	vmin.scan.msk.f32 $0xffff, v21  }
0xee: {  	v33 =	vld [tilespmem:s17+$0x0]  }
0xef: {  	v34 =	vld [tilespmem:s29+$0x0]  }
0xf0: {  	v31 =	vld [tilespmem:s16+$0x0]  }
0xf1: {  	s7 =	spop (v2sf)  }
0xf2: {  	v57 =	vmin.f32 v25, v30;
	v35 =	vmov s6;
	v37 =	vbroadcast v22, $0xF;
	s19 =	spop (v2sf);
	v21, _, _ =	vpop (xrf0)  }
0xf3: {  	s18 =	simm.s32 $0x1E00;
	v22 =	vmax.f32 v26, v33;
	v38 =	vbroadcast v29, $0xF;
	s17 =	spop (v2sf);
	(v2sf) =	vpush v21, $0xF;
	v21, _, _ =	vpop (xrf0)  }
0xf4: {  	v22 =	vsub.f32 v57, v22;
	v39 =	vbroadcast v55, $0xF;
	s24 =	spop (v2sf);
	(v2sf) =	vpush v21, $0xF;
	v21 =	vld [tilespmem:s18+$0x0]  }
0xf5: {  	v36 =	vbroadcast v54, $0xF;
	v56 =	vmax.f32 v24, v34;
	v29 =	vmin.f32 v23, v31;
	s25 =	spop (v2sf);
	s6 =	ssub.f32 s24, s19  }
0xf6: {  	v22 =	vmax.f32 v22, $0.0e+00;
	v58 =	vmin.f32 v39, v30;
	v29 =	vsub.f32 v29, v56;
	s17 =	ssub.f32 s25, s17  }
0xf7: {  	v27 =	vmax.f32 v38, v33;
	v60 =	vmax.f32 v37, v34;
	v59 =	vmin.f32 v36, v31  }
0xf8: {  	v27 =	vsub.f32 v58, v27;
	v61 =	vsub.f32 v59, v60;
	v29 =	vmax.f32 v29, $0.0e+00;
	s6 =	smul.f32 s17, s6  }
0xf9: {  	v22 =	vmul.f32 v22, v29;
	v29 =	vadd.f32 v21, v35  }
0xfa: {  	v27 =	vmax.f32 v27, $0.0e+00;
	v32 =	vmax.f32 v61, $0.0e+00;
	v43 =	vmov s6  }
0xfb: {  	v27 =	vmul.f32 v27, v32;
	v21 =	vadd.f32 v21, v43;
	v29 =	vsub.f32 v29, v22;
	_ =	sdelay $0x1  }
0xfc: {  	v21 =	vsub.f32 v21, v27;
	(erf) = vrcp.f32 v29;
	_ =	sdelay $0x1  }
0xfd: {  	(erf) = vrcp.f32 v21;
	_ =	sdelay $0x2  }
0xfe: {  	s24 =	spop (v2sf)  }
0xff: {  	s25 =	spop (v2sf)  }
0x100: {  	p6 =	sgt.f32 s24, $0.0e+00;
	p3 =	sgt.f32 s25, $0.0e+00  }
0x101: {  	_ = 	snop  }
0x102: {  	p4 =	sge.f32 s7, $0.0e+00;
	p2 =	por !p6, !p3;
	v21 =	vpop (erf)  }
0x103: {  	v62 =	vimm.s32 $0x0;
	s19 =	simm.s32 $0x1400;
	p3 =	sge.f32 s0, $0.0e+00;
	p2 =	por !p2, !p2;
	v21 =	vmul.f32 v21, v22  }
0x104: {  	v63 =	vor.u32 s29, v2;
	v45 =	vimm.f32 $0.0e+00;
	vm5 =	vmmov vm6;
	v22 =	vld [tilespmem:s19+$0x0];
	v29 =	vpop (erf);
	p2 =	por !p2, !p4  }
0x105: {  	vm5 =	vmneg @p3 vm5;
	p2 =	por !p2, !p2;
	vm7 =	vge.f32 v21, $6.499999760e-01;
	v21 =	vmul.f32 v29, v27  }
0x106: {  	v44 =	vimm.f32 $0.0e+00;
	v48 =	vimm.f32 $0.0e+00;
	p2 =	por !p3, !p2;
	vm7 =	vmand vm5, vm7  }
0x107: {  	vm12 =	vmmov vm6;
	p2 =	por !p2, !p2;
	vm8 =	vge.f32 v21, $6.499999760e-01;
	vm9 =	vmneg vm7  }
0x108: {  	v40 =	vimm.f32 $0.0e+00;
	vm12 =	vmneg @p2 vm12;
	vm8 =	vmand vm8, vm9  }
0x109: {  	v50 =	vimm.f32 $0.0e+00;
	vm9 =	vge.f32 v22, $0.0e+00;
	vm8 =	vmand vm12, vm8  }
0x10a: {  	v51 =	vimm.f32 $0.0e+00;
	vm7 =	vmand vm9, vm7;
	vm8 =	vmand vm9, vm8  }
0x10b: {  	v41 =	vimm.f32 $0.0e+00;
	v52 =	vimm.f32 $0.0e+00;
	vm9 =	vmor vm7, vm8  }
0x10c: {  	v46 =	vld.idx.msk [tilespmem:v16+s22+$0x0], $0xffff;
	v47 =	vimm.f32 $0.0e+00;
	v27 =	vimm.f32 $-1.000000000e+00;
	v29 =	vsel vm9, $0xBF800000, v22  }
0x10d: {  	v42 =	vld.idx.msk [tilespmem:v9+s22+$0x0], $0xffff;
	s24 =	simm.s32 $0x510;
	v49 =	vnsel vm7, $0x0, v22;
	v53 =	vnsel vm8, $0x0, v22;
	vm7 =	vgt.f32 v29, v27;
	[tilespmem:s19+$0x0] =	vst v29  }
0x10e: {  	s25 =	simm.s32 $0xF10;
	v57 =	vmul.f32 v53, v34;
	v21 =	vsel vm7, v29, v27;
	v22 =	vsel vm7, v63, v62;
	v56 =	vld [tilespmem:s24+$0x0]  }
0x10f: {  	s7 =	simm.s32 $0x20;
	s17 =	simm.s32 $0x10;
	s6 =	simm.s32 $0x10;
	v55 =	vmul.f32 v53, v33;
	v54 =	vld [tilespmem:s25+$0x0];
	v32 =	vsel vm7, v27, v21;
	v27 =	vsel vm7, v62, v22;
	v29 =	vmovc v22  }
.LBB2_9:
0x110: {  	p3 =	sne.s32 s7, $0x4E0;
	v58 =	vld [tilespmem:s6+$0x0];
	v28 =	vadd.f32 v57, v28;
	v57 =	vmul.f32 v53, v31;
	v59 =	vmul.f32 v53, v30;
	s16 =	sadd.s32 $0x10, s16  }
0x111: {  	v34 =	vmul.f32 v49, v34;
	v61 =	vmul.f32 v49, v33;
	v45 =	vadd.f32 v55, v45;
	v60 =	vld [tilespmem:s16+$0x0]  }
0x112: {  	v31 =	vmul.f32 v49, v31;
	v55 =	vmul.f32 v49, v30;
	v44 =	vadd.f32 v57, v44  }
0x113: {  	v40 =	vadd.f32 v53, v40;
	v41 =	vadd.f32 v59, v41;
	v33 =	vmov v56  }
0x114: {  	s18 =	sadd.s32 $0x10, s18;
	v50 =	vadd.f32 v34, v50;
	v48 =	vadd.f32 v61, v48;
	v30 =	vmov v54  }
0x115: {  	v52 =	vadd.f32 v31, v52;
	v54 =	vmax.f32 v26, v33;
	v56 =	vmax.f32 v38, v33;
	v53 =	vld [tilespmem:s18+$0x0];
	v34 =	vmovc v58  }
0x116: {  	v59 =	vmin.f32 v25, v30;
	v57 =	vmin.f32 v23, v60;
	v58 =	vmax.f32 v24, v34;
	v31 =	vmovc v60  }
0x117: {  	v54 =	vsub.f32 v59, v54;
	v57 =	vsub.f32 v57, v58;
	v58 =	vmin.f32 v39, v30  }
0x118: {  	v60 =	vmax.f32 v37, v34;
	v59 =	vmin.f32 v36, v31;
	v56 =	vsub.f32 v58, v56  }
0x119: {  	v54 =	vmax.f32 v54, $0.0e+00;
	v58 =	vsub.f32 v59, v60;
	v57 =	vmax.f32 v57, $0.0e+00  }
0x11a: {  	v51 =	vadd.f32 v55, v51;
	v54 =	vmul.f32 v54, v57;
	v57 =	vadd.f32 v53, v35  }
0x11b: {  	v47 =	vadd.f32 v49, v47;
	v55 =	vmax.f32 v58, $0.0e+00;
	v56 =	vmax.f32 v56, $0.0e+00  }
0x11c: {  	v53 =	vadd.f32 v53, v43;
	v55 =	vmul.f32 v56, v55;
	v49 =	vsub.f32 v57, v54;
	_ =	sdelay $0x1  }
0x11d: {  	v53 =	vsub.f32 v53, v55;
	(erf) = vrcp.f32 v49;
	_ =	sdelay $0x1  }
0x11e: {  	(erf) = vrcp.f32 v53;
	_ =	sdelay $0x6  }
0x11f: {  	v49 =	vpop (erf)  }
0x120: {  	s19 =	sadd.s32 $0x10, s19;
	v49 =	vmul.f32 v49, v54  }
0x121: {  	v54 =	vld [tilespmem:s19+$0x0];
	v53 =	vpop (erf)  }
0x122: {  	vm7 =	vge.f32 v49, $6.499999760e-01;
	v49 =	vmul.f32 v53, v55  }
0x123: {  	vm7 =	vmand vm5, vm7  }
0x124: {  	vm8 =	vge.f32 v49, $6.499999760e-01;
	vm9 =	vmneg vm7  }
0x125: {  	vm8 =	vmand vm8, vm9  }
0x126: {  	vm9 =	vge.f32 v54, $0.0e+00;
	vm8 =	vmand vm12, vm8  }
0x127: {  	vm7 =	vmand vm9, vm7;
	vm8 =	vmand vm9, vm8  }
.Ltmp3:
0x128: {  	v49 =	vnsel vm7, $0x0, v54;
	v53 =	vnsel vm8, $0x0, v54;
	vm7 =	vmor vm7, vm8;
	(pc) =	sbr.rel @p3 .LBB2_9-.Ltmp3, $4  }
0x129: {  	v57 =	vmul.f32 v53, v34;
	v55 =	vmul.f32 v53, v33;
	v58 =	vsel vm7, $0xBF800000, v54  }
0x12a: {  	s24 =	sadd.s32 $0x10, s24;
	v54 =	vor.u32 s17, v2;
	s17 =	smov.u32 s7;
	[tilespmem:s19+$0x0] =	vst v58;
	vm7 =	vgt.f32 v58, v21;
	vm8 =	vgt.f32 v58, v32  }
0x12b: {  	s25 =	sadd.s32 $0x10, s25;
	v56 =	vld [tilespmem:s24+$0x0];
	v32 =	vsel vm8, v58, v32;
	v27 =	vsel vm8, v54, v27;
	v22 =	vsel vm7, v54, v22  }
0x12c: {  	s6 =	sadd.s32 $0x10, s6;
	s7 =	sadd.s32 $0x10, s7;
	v54 =	vld [tilespmem:s25+$0x0];
	v32 =	vsel vm7, v21, v32;
	v27 =	vsel vm7, v29, v27;
	v21 =	vsel vm7, v58, v21;
	v29 =	vmovc v22  }
0x12d: {  	v58 =	vld [tilespmem:s6+$0x0];
	s16 =	sadd.s32 $0x10, s16  }
0x12e: {  	v59 =	vld [tilespmem:s16+$0x0];
	_ =	sdelay $0x2  }
0x12f: {  	s24 =	sadd.s32 $0x10, s18  }
0x130: {  	v60 =	vld [tilespmem:s24+$0x0];
	v26 =	vmax.f32 v26, v56  }
0x131: {  	v25 =	vmin.f32 v25, v54;
	v24 =	vmax.f32 v24, v58;
	v23 =	vmin.f32 v23, v59  }
0x132: {  	v63 =	vsub.f32 v25, v26;
	v23 =	vsub.f32 v23, v24;
	_ =	sdelay $0x1  }
0x133: {  	v24 =	vmax.f32 v63, $0.0e+00;
	v23 =	vmax.f32 v23, $0.0e+00  }
0x134: {  	v35 =	vadd.f32 v60, v35;
	v23 =	vmul.f32 v24, v23;
	_ =	sdelay $0x1  }
0x135: {  	v24 =	vsub.f32 v35, v23;
	_ =	sdelay $0x1  }
0x136: {  	(erf) = vrcp.f32 v24  }
0x137: {  	v38 =	vmax.f32 v38, v56  }
0x138: {  	v61 =	vmin.f32 v39, v54;
	v62 =	vmin.f32 v36, v59;
	v63 =	vmax.f32 v37, v58  }
0x139: {  	v35 =	vsub.f32 v62, v63;
	v24 =	vsub.f32 v61, v38;
	_ =	sdelay $0x1  }
0x13a: {  	v25 =	vmax.f32 v35, $0.0e+00;
	v24 =	vmax.f32 v24, $0.0e+00  }
0x13b: {  	v36 =	vadd.f32 v60, v43;
	v24 =	vmul.f32 v24, v25  }
0x13c: {  	s25 =	sadd.s32 $0x10, s19  }
0x13d: {  	v26 =	vld [tilespmem:s25+$0x0];
	v25 =	vsub.f32 v36, v24  }
0x13e: {  	v37 =	vpop (erf)  }
0x13f: {  	(erf) = vrcp.f32 v25;
	v23 =	vmul.f32 v37, v23;
	_ =	sdelay $0x1  }
0x140: {  	vm7 =	vge.f32 v23, $6.499999760e-01  }
0x141: {  	v39 =	vmul.f32 v49, v31;
	vm8 =	vge.f32 v26, $0.0e+00;
	vm7 =	vmand vm5, vm7  }
0x142: {  	v43 =	vmul.f32 v49, v30;
	v23 =	vmul.f32 v49, v34;
	vm5 =	vmand vm8, vm7  }
0x143: {  	v38 =	vmul.f32 v49, v33;
	v33 =	vadd.f32 v39, v52;
	v35 =	vnsel vm5, $0x0, v26  }
0x144: {  	v52 =	vsel vm3, v46, v42;
	v23 =	vadd.f32 v23, v50;
	v50 =	vmul.f32 v35, v58  }
0x145: {  	v25 =	vadd.f32 v38, v48;
	v34 =	vadd.f32 v43, v51;
	v51 =	vmul.f32 v35, v56  }
0x146: {  	v62 =	vnsel vm4, $0x0, v52;
	v61 =	vmul.f32 v35, v59;
	v23 =	vadd.f32 v50, v23  }
0x147: {  	(xrf2) =	vadd.scan.msk.f32 $0xffff, v62;
	v60 =	vpop (erf);
	v63 =	vmul.f32 v35, v54;
	v25 =	vadd.f32 v51, v25  }
0x148: {  	v24 =	vmul.f32 v60, v24;
	v33 =	vadd.f32 v61, v33;
	(xrf2) =	vadd.scan.msk.f32 $0xffff, v23  }
0x149: {  	v23 =	vadd.f32 v63, v34;
	(xrf2) =	vadd.scan.msk.f32 $0xffff, v25  }
0x14a: {  	vm4 =	vmneg vm7;
	vm3 =	vge.f32 v24, $6.499999760e-01;
	(xrf2) =	vadd.scan.msk.f32 $0xffff, v33  }
0x14b: {  	v37 =	vadd.f32 v49, v47;
	vm3 =	vmand vm3, vm4;
	(xrf2) =	vadd.scan.msk.f32 $0xffff, v23  }
0x14c: {  	vm3 =	vmand vm12, vm3  }
0x14d: {  	vm3 =	vmand vm8, vm3;
	v23 =	vadd.f32 v35, v37  }
0x14e: {  	v38 =	vadd.f32 v57, v28;
	v39 =	vnsel vm3, $0x0, v26  }
0x14f: {  	p5 =	sge.f32 @!p0 s0, $0.0e+00;
	v43 =	vmul.f32 v53, v31;
	v46 =	vmul.f32 v39, v58;
	(xrf2) =	vadd.scan.msk.f32 $0xffff, v23;
	v23 =	vnsel @!p0 vm2, $0x0, v42  }
0x150: {  	p4 =	seq.s32 s31, $0x63;
	p3 =	por !p2, !p2;
	v47 =	vadd.f32 v55, v45;
	v50 =	vmul.f32 v53, v30;
	v48 =	vmul.f32 v39, v56;
	(xrf2) =	vadd.scan.msk.f32 @!p0 $0xffff, v23  }
0x151: {  	s0 =	simm.f32 @!p0 $1.000000000e+00;
	p6 =	por !p1, !p2;
	p5 =	por !p5, p0;
	v31, _, _ =	vpop (xrf2);
	v49 =	vmul.f32 v39, v59;
	v23 =	vadd.f32 v43, v44;
	v24 =	vadd.f32 v46, v38  }
0x152: {  	p3 =	por p4, p3;
	s0 =	simm.s32 @p5 $0x0;
	p5 =	por !p6, !p6;
	v62 =	vor.u32 s17, v2;
	v57 =	vadd.f32 v53, v40;
	v33 =	vadd.f32 v48, v47;
	v51, _, _ =	vpop (xrf2)  }
0x153: {  	p4 =	por !p5, p4;
	v52 =	vadd.f32 v50, v41;
	v55 =	vmul.f32 v39, v54;
	v23 =	vadd.f32 v49, v23;
	(xrf2) =	vadd.scan.msk.f32 @!p3 $0xffff, v24;
	v56, _, _ =	vpop (xrf2)  }
0x154: {  	v31 =	vbroadcast @!p4 v31, $0xF;
	v63 =	vmul.u32 $0x64, v2;
	vm4 =	vmmov @!p0 $0x1;
	(xrf2) =	vadd.scan.msk.f32 @!p3 $0xffff, v33;
	v58, _, _ =	vpop (xrf2)  }
0x155: {  	v18 =	vnsel @!p0 vm4, $0x0, v18;
	v28 =	vbroadcast v51, $0xF;
	(xrf2) =	vadd.scan.msk.f32 @!p3 $0xffff, v23;
	v23 =	vadd.f32 v55, v52;
	v61, _, _ =	vpop (xrf2)  }
0x156: {  	vm4 =	vcmask @!p0 $0x314;
	v34 =	vbroadcast v56, $0xF;
	v30 =	vbroadcast v61, $0xF  }
0x157: {  	v25 =	vadd.f32 v39, v57;
	v59 =	vnsel vm0, $0x0, v28;
	v60 =	vbroadcast v58, $0xF  }
0x158: {  	v18 =	vsel @!p0 vm4, v18, v19;
	vm4 =	vcmask @!p0 $0x714;
	(xrf2) =	vadd.scan.msk.f32 @!p3 $0xffff, v23;
	v24 =	vsel vm13, v59, v34  }
0x159: {  	v19 =	vlaneseq.u32 @!p0;
	vm2 =	vmor vm5, vm3;
	(xrf2) =	vadd.scan.msk.f32 @!p3 $0xffff, v25;
	v24 =	vsel vm14, v24, v60;
	v23, _, _ =	vpop (xrf2)  }
0x15a: {  	vm5 =	vcmask @!p3 $0xB14;
	v26 =	vsel vm2, $0xBF800000, v26;
	v24 =	vsel vm15, v24, v30;
	v30, _, _ =	vpop @!p0 (xrf2)  }
0x15b: {  	vm3 =	vgt.f32 v26, v32;
	v23 =	vbroadcast v23, $0xF;
	v30 =	vbroadcast @!p0 v30, $0xF  }
0x15c: {  	vm2 =	vgt.f32 v26, v21;
	v32 =	vsel vm3, v26, v32;
	v28 =	vadd.s32 s31, v63  }
0x15d: {  	v23 =	vsel vm1, v24, v23;
	v25, _, _ =	vpop @!p3 (xrf2);
	v18 =	vsel @!p0 vm4, v18, v30;
	vm4 =	veq.s32 @!p0 v19, $0x3  }
0x15e: {  	v24, _, _ =	vpop @!p3 (xrf2);
	v18 =	vsel @!p0 vm4, s0, v18;
	vm4 =	veq.s32 @!p0 v19, $0x4;
	v19 =	vbroadcast @!p3 v25, $0xF  }
0x15f: {  	v24 =	vbroadcast @!p3 v24, $0xF;
	v25, _, _ =	vpop @!p3 (xrf2);
	v18 =	vsel @!p0 vm4, s28, v18;
	vm4 =	vmmov @!p3 $0x1  }
0x160: {  	v25 =	vbroadcast @!p3 v25, $0xF;
	v19 =	vnsel @!p3 vm4, $0x0, v19;
	vm4 =	vcmask @!p3 $0x314  }
0x161: {  	v19 =	vsel @!p3 vm4, v19, v24;
	vm4 =	vcmask @!p3 $0x714;
	v24 =	vlaneseq.u32 @!p3  }
0x162: {  	s6 =	simm.s32 $0x2;
	[tilespmem:s25+$0x0] =	vst v26;
	v30, _, _ =	vpop @!p3 (xrf2);
	v19 =	vsel @!p3 vm4, v19, v25;
	v24 =	vmul.u32 @!p3 $0x64, v24;
	v25 =	vlaneseq.u32 @!p4  }
0x163: {  	s6 =	simm.s32 @!p2 $0x1;
	[tilespmem:v28+s23+$0x0] =	vst.idx.msk $0xffff, v23;
	v23 =	vsel vm3, v62, v27;
	s0 =	sadd.s32 $0x1, s31;
	v30 =	vbroadcast @!p3 v30, $0xF;
	v35, _, _ =	vpop @!p3 (xrf2);
	v33 =	vmul.u32 @!p4 $0x64, v25  }
0x164: {  	s31 =	sadd.s32 s31, s6;
	v35 =	vbroadcast @!p3 v35, $0xF;
	vm4 =	vmmov @!p4 $0x1;
	v24 =	vadd.s32 @!p3 s0, v24  }
0x165: {  	p2 =	slt.u32 s31, $0x64;
	v17 =	vnsel @!p4 vm4, $0x0, v17;
	vm4 =	vcmask @!p4 $0x314;
	v33 =	vadd.s32 @!p4 s0, v33  }
.Ltmp4:
0x166: {  	v19 =	vsel @!p3 vm5, v19, v30;
	v17 =	vsel @!p4 vm4, v17, v20;
	vm4 =	vcmask @!p4 $0x714;
	(pc) =	sbr.rel @p2 .LBB2_8-.Ltmp4, $4  }
0x167: {  	vm5 =	vcmask @!p3 $0xF14;
	s0 =	simm.s32 @!p0 $0x3200;
	v17 =	vsel @!p4 vm4, v17, v31;
	vm4 =	veq.s32 @!p4 v25, $0x3  }
0x168: {  	s7 =	simm.s32 @!p3 $0x2B80;
	vm3 =	veq.s32 @!p4 v25, $0x4;
	[tilespmem:v28+s0+$0x0] =	vst.idx.msk @!p0 $0xffff, v18;
	v18 =	vsel @!p3 vm5, v19, v35;
	v19 =	vsel @!p4 vm4, $0x3F800000, v17  }
0x169: {  	s6 =	simm.s32 @!p4 $0x3200;
	v20 =	vsel vm2, v21, v32;
	v21 =	vsel vm2, v26, v21;
	[tilespmem:v24+s7+$0x0] =	vst.idx.msk @!p3 $0xffff, v18;
	v18 =	vsel @!p4 vm3, s28, v19  }
0x16a: {  	v17 =	vsel vm2, v62, v22;
	v22 =	vsel vm2, v29, v23;
	[tilespmem:v33+s6+$0x0] =	vst.idx.msk @!p4 $0xffff, v18  }
0x16b: {  	s6 =	simm.s32 $0x80;
	s7 =	simm.s32 $0x400  }
0x16c: {  	[hbm4b:s12+s6] =	stream.strided.scatter [tilespmem:s23], [sflag:$0x1], $0x680, s7, s6, $0x38;
	[tilespmem:$0x3980] =	vst v63  }
0x16d: {  	_ =	swait.ge [sflag:s15], $0x680  }
0x16e: {  	s26 =	sadd.s32 $0x1, s26;
	s6 =	simm.s32 @!p0 $0x80;
	[sflag:s15] =	ssyncset.done $0x0  }
0x16f: {  	s7 =	simm.s32 @!p0 $0x100;
	p2 =	sne.s32 s26, s14;
	[sflag:s15] =	ssyncadd.s32 $0xFFFFF980  }
0x170: {  	[hbm4b:s13+s6] =	stream.strided.scatter @!p0 [tilespmem:s0], [sflag:$0x1], $0x680, s7, s6, $0x38;
	[tilespmem:$0x3980] =	vst v63  }
.Ltmp5:
0x171: {  	_ = 	snop;
	(pc) =	sbr.rel @p2 .LBB2_1-.Ltmp5, $4  }
0x172: {  	s0 =	simm.s32 @!p0 $0x1  }
0x173: {  	_ =	swait.ge @!p0 [sflag:s0], $0x680  }
0x174: {  	[sflag:s0] =	ssyncset.done @!p0 $0x0  }
0x175: {  	[sflag:s0] =	ssyncadd.s32 @!p0 $0xFFFFF980  }
0x176: {  	_ =	sfence.sel $0x180000  }
0x177: {  	[bflag:$0x0] =	sbarrier.arrive $0xFFFF  }
0x178: {  	_ =	strace $0x90000047  }
0x179: {  	[bflag:$0x2] =	sbarrier.arrive $0xFFFF  }
0x17a: {  	s0 =	rddreg [dreg:$0x2]  }
0x17b: {  	s0 =	sadd.s32 @!p0 $0x100000, s0  }
0x17c: {  	[sflag:s0] =	ssyncadd.tile.s32 @!p0 $0x1;
	_ =	shalt  }
.Lfunc_end2:
_tile_overlayer_lowered:
.L_overlay_start_2:
0x17d: {  	(tag) =	ssettag $0x2  }
0x17e: {  	s0 =	rddreg [dreg:$0x0];
	s2 =	stileid.u32  }
0x17f: {  	s1 =	rddreg [dreg:$0x1];
	p0 =	sne.s32 s2, $0x0  }
0x180: {  	s3 =	rddreg [dreg:$0x2];
	[bflag:$0x3] =	sbarrier.arrive $0xFFFF;
	s2 =	simm.s32 @!p0 $0x1C01  }
0x181: {  	[timem:s3], [sflag:s2] =	dma.local @!p0 [hbm:s0], s1  }
0x182: {  	s0 =	simm.s32 @!p0 $0x1  }
0x183: {  	_ =	swait.ge @!p0 [sflag:s0], s1  }
0x184: {  	s1 =	ssub.s32 @!p0 $0x0, s1;
	[sflag:s0] =	ssyncset.done @!p0 $0x0  }
0x185: {  	[sflag:s0] =	ssyncadd.s32 @!p0 s1  }
0x186: {  	[bflag:$0x3] =	sbarrier.arrive $0xFFFF  }
0x187: {  	_ =	shalt  }

</sc_bundles>
